<compile_context>
chip_gen: v7x
topology: tpu7x:2x2x1
jax: 0.10.2.dev20260603
libtpu: 0.0.44.dev20260713+nightly
codegen_flags: <defaults>
</compile_context>

<pallas_src>
import functools

import jax
import jax.numpy as jnp
import numpy as np
from jax.experimental import pallas as pl
from jax.experimental.pallas import tpu as pltpu

B = 1024
INPUT_SIZE = 256
HIDDEN = 64
SEQ_LEN = 20
N_NODES = 22
BB = 256
BH = BB // 2
NB = B // BB


def _static_a_hat():
    adj_list = [[0, 2, 5, 8, 11], [0, 1, 4, 7, 10], [0, 3, 6, 9, 12, 15],
                [9, 14, 17, 19, 21], [9, 13, 16, 18, 20]]
    adj = np.zeros((N_NODES, N_NODES), dtype=np.float64)
    for sub in adj_list:
        for i in range(len(sub)):
            for j in range(i + 1, len(sub)):
                adj[sub[i], sub[j]] = 1.0
                adj[sub[j], sub[i]] = 1.0
    deg = np.maximum(adj.sum(axis=1), 1.0)
    norm = deg ** -0.5
    return (norm[:, None] * adj * norm[None, :]).astype(np.float32)


_A_HAT = _static_a_hat()
_NBRS = [[(m, float(_A_HAT[n, m])) for m in range(N_NODES) if _A_HAT[n, m] != 0.0]
         for n in range(N_NODES)]


def _gru_kernel(x_ref, wcat_ref, bcat_ref, g2_ref, gb2_ref, out_ref,
                h_ref, xp_ref):
    t = pl.program_id(1)

    @pl.when(t == 0)
    def _start_block():
        xp = (jnp.dot(x_ref[...], wcat_ref[...],
                      preferred_element_type=jnp.float32)
              + bcat_ref[...])
        xp_ref[...] = jnp.concatenate(
            [jnp.concatenate([xp[0:BH, k * HIDDEN:(k + 1) * HIDDEN],
                              xp[BH:BB, k * HIDDEN:(k + 1) * HIDDEN]], axis=1)
             for k in range(3)], axis=1)
        h_ref[...] = jnp.zeros_like(h_ref)

    h = h_ref[...]
    feat = jnp.dot(h.reshape(N_NODES * BH, 2 * HIDDEN), g2_ref[...],
                   preferred_element_type=jnp.float32)
    f3 = feat.reshape(N_NODES, BH, 2 * HIDDEN)
    gb = gb2_ref[...].reshape(1, 2 * HIDDEN)

    xp = xp_ref[...]
    x_r = xp[:, 0 * 2 * HIDDEN:1 * 2 * HIDDEN][None, :, :]
    x_z = xp[:, 1 * 2 * HIDDEN:2 * 2 * HIDDEN][None, :, :]
    x_h = xp[:, 2 * 2 * HIDDEN:3 * 2 * HIDDEN][None, :, :]

    rows = []
    for n in range(N_NODES):
        acc = gb
        for m, a in _NBRS[n]:
            acc = acc + f3[m] * a
        rows.append(acc)
    h_conv = jnp.stack(rows, axis=0)

    r_t = jax.nn.sigmoid(x_r + h_conv)
    z_t = jax.nn.sigmoid(x_z + h_conv)
    h_tilde = jnp.tanh(x_h + r_t * h_conv)
    h_new = h + z_t * (h_tilde - h)
    h_ref[...] = h_new
    tr = jnp.transpose(h_new, (1, 0, 2))
    out_ref[0:BH, 0, :, :] = tr[:, :, 0:HIDDEN]
    out_ref[BH:BB, 0, :, :] = tr[:, :, HIDDEN:2 * HIDDEN]


@functools.partial(jax.jit, static_argnames=())
def kernel(x, w_r_w, w_r_b, w_z_w, w_z_b, w_h_w, w_h_b, gcn_w, gcn_b, src, dst):
    wcat = jnp.concatenate([w_r_w, w_z_w, w_h_w], axis=0).T
    bcat = jnp.concatenate([w_r_b, w_z_b, w_h_b]).reshape(1, 3 * HIDDEN)
    zero = jnp.zeros_like(gcn_w)
    g2 = jnp.block([[gcn_w, zero], [zero, gcn_w]])
    gb2 = jnp.concatenate([gcn_b, gcn_b]).reshape(1, 2 * HIDDEN)

    out = pl.pallas_call(
        _gru_kernel,
        grid=(NB, SEQ_LEN),
        in_specs=[
            pl.BlockSpec((BB, INPUT_SIZE), lambda b, t: (b, 0)),
            pl.BlockSpec((INPUT_SIZE, 3 * HIDDEN), lambda b, t: (0, 0)),
            pl.BlockSpec((1, 3 * HIDDEN), lambda b, t: (0, 0)),
            pl.BlockSpec((2 * HIDDEN, 2 * HIDDEN), lambda b, t: (0, 0)),
            pl.BlockSpec((1, 2 * HIDDEN), lambda b, t: (0, 0)),
        ],
        out_specs=pl.BlockSpec((BB, 1, N_NODES, HIDDEN), lambda b, t: (b, t, 0, 0)),
        out_shape=jax.ShapeDtypeStruct((B, SEQ_LEN, N_NODES, HIDDEN), jnp.float32),
        scratch_shapes=[
            pltpu.VMEM((N_NODES, BH, 2 * HIDDEN), jnp.float32),
            pltpu.VMEM((BH, 3 * 2 * HIDDEN), jnp.float32),
        ],
    )(x, wcat, bcat, g2, gb2)
    return out.reshape(B, SEQ_LEN * N_NODES * HIDDEN)

# --- scband reference (transcript-rebuilt; emitter-appended) ---
"""Pipeline reference for scband-graph-conv-gru-25271587570213 (READ-ONLY COPY).

The authoritative reference and input builder live on the scoring server;
editing this copy changes nothing except your own understanding.
"""

import jax, jax.numpy as jnp
import numpy as np

B = 1024
INPUT_SIZE = 256
HIDDEN = 64
SEQ_LEN = 20
N_NODES = 22


def _build_edges():
    adj_list = [[0, 2, 5, 8, 11], [0, 1, 4, 7, 10], [0, 3, 6, 9, 12, 15], [9, 14, 17, 19, 21], [9, 13, 16, 18, 20]]
    num_nodes = max(max(s) for s in adj_list) + 1
    adj = np.zeros((num_nodes, num_nodes), dtype=np.int64)
    for sub in adj_list:
        for i in range(len(sub)):
            for j in range(i + 1, len(sub)):
                adj[sub[i], sub[j]] = 1
                adj[sub[j], sub[i]] = 1
    src, dst = np.nonzero(adj)
    return src.astype(np.int32), dst.astype(np.int32), num_nodes


def setup_inputs(seed: int = 0):
    key = jax.random.key(seed)
    ks = jax.random.split(key, 9)
    src, dst, _ = _build_edges()
    s = 0.05
    return {
        "x": jax.random.normal(ks[0], (B, INPUT_SIZE), dtype=jnp.float32),
        "w_r_w": jax.random.normal(ks[1], (HIDDEN, INPUT_SIZE), dtype=jnp.float32) * s,
        "w_r_b": jnp.zeros((HIDDEN,), dtype=jnp.float32),
        "w_z_w": jax.random.normal(ks[2], (HIDDEN, INPUT_SIZE), dtype=jnp.float32) * s,
        "w_z_b": jnp.zeros((HIDDEN,), dtype=jnp.float32),
        "w_h_w": jax.random.normal(ks[3], (HIDDEN, INPUT_SIZE), dtype=jnp.float32) * s,
        "w_h_b": jnp.zeros((HIDDEN,), dtype=jnp.float32),
        "gcn_w": jax.random.normal(ks[4], (HIDDEN, HIDDEN), dtype=jnp.float32) * s,
        "gcn_b": jnp.zeros((HIDDEN,), dtype=jnp.float32),
        "src": jnp.asarray(src, dtype=jnp.int32),
        "dst": jnp.asarray(dst, dtype=jnp.int32),
    }


def _graph_conv(h, gcn_w, gcn_b, src, dst):
    # DGL GraphConv, norm='both', in==out so weight applied before aggregation:
    # y = norm_dst * sum_{src->dst}(norm_src * (h @ W)) + b
    deg = jnp.maximum(jnp.bincount(dst, length=N_NODES), 1).astype(jnp.float32)
    norm = deg ** (-0.5)  # graph is symmetric: in-deg == out-deg
    feat = h @ gcn_w  # (B, N, H)
    msg = feat * norm[None, :, None]
    m = jnp.take(msg, src, axis=1)  # gather source features per edge -> (B, E, H)
    agg = jax.ops.segment_sum(jnp.moveaxis(m, 1, 0), dst, num_segments=N_NODES)  # (N, B, H)
    agg = jnp.moveaxis(agg, 0, 1)  # (B, N, H)
    return agg * norm[None, :, None] + gcn_b


def reference(x, w_r_w, w_r_b, w_z_w, w_z_b, w_h_w, w_h_b, gcn_w, gcn_b, src, dst):
    Bx = x.shape[0]
    h = jnp.zeros((Bx, N_NODES, HIDDEN), dtype=jnp.float32)
    outs = []
    for _ in range(SEQ_LEN):
        h_conv = _graph_conv(h, gcn_w, gcn_b, src, dst)
        x_r = (x @ w_r_w.T + w_r_b)[:, None, :]
        x_z = (x @ w_z_w.T + w_z_b)[:, None, :]
        x_h = (x @ w_h_w.T + w_h_b)[:, None, :]
        r_t = jax.nn.sigmoid(x_r + h_conv)
        z_t = jax.nn.sigmoid(x_z + h_conv)
        h_tilde = jnp.tanh(x_h + r_t * h_conv)
        h = (1.0 - z_t) * h + z_t * h_tilde
        outs.append(h[:, None, :, :])
    out = jnp.concatenate(outs, axis=1)  # (B, T, N, H)
    return out.reshape(Bx, -1)

if __name__ == "__main__":
    import jax
    _d = setup_inputs()
    print(jax.jit(kernel)(*tuple(_d.values())))

</pallas_src>

<mosaic_0001>
module attributes {stable_mosaic.version = 14 : i64} {
  func.func @_gru_kernel(%arg0: i32, %arg1: i32, %arg2: memref<256x256xf32, #tpu.memory_space<vmem>>, %arg3: memref<256x192xf32, #tpu.memory_space<vmem>>, %arg4: memref<1x192xf32, #tpu.memory_space<vmem>>, %arg5: memref<128x128xf32, #tpu.memory_space<vmem>>, %arg6: memref<1x128xf32, #tpu.memory_space<vmem>>, %arg7: memref<256x1x22x64xf32, #tpu.memory_space<vmem>>, %arg8: memref<22x128x128xf32, #tpu.memory_space<vmem>>, %arg9: memref<128x384xf32, #tpu.memory_space<vmem>>) attributes {dimension_semantics = [#tpu.dimension_semantics<arbitrary>, #tpu.dimension_semantics<arbitrary>], iteration_bounds = array<i64: 4, 20>, scalar_prefetch = 0 : i64, scratch_operands = 2 : i64, tpu.core_type = #tpu.core_type<tc>, window_params = [{transform_indices = @transform_0, window_bounds = array<i64: 256, 256>}, {pipeline_mode = #tpu.pipeline_mode<synchronous>, transform_indices = @transform_1, window_bounds = array<i64: 256, 192>}, {pipeline_mode = #tpu.pipeline_mode<synchronous>, transform_indices = @transform_2, window_bounds = array<i64: 1, 192>}, {pipeline_mode = #tpu.pipeline_mode<synchronous>, transform_indices = @transform_3, window_bounds = array<i64: 128, 128>}, {pipeline_mode = #tpu.pipeline_mode<synchronous>, transform_indices = @transform_4, window_bounds = array<i64: 1, 128>}, {transform_indices = @transform_5, window_bounds = array<i64: 256, 1, 22, 64>}]} {
    %eq3A = arith.constant 0 : i32
    %eq3A_0 = arith.cmpi eq, %arg1, %eq3A : i32
    %convert_element_type3A = arith.extui %eq3A_0 : i1 to i32
    %cond3A = arith.constant 0 : i32
    %cond3A_1 = arith.cmpi ne, %convert_element_type3A, %cond3A : i32
    scf.if %cond3A_1 {
      %get3A_760 = arith.constant 0 : index
      %get3A_761 = arith.constant 0 : index
      %get3A_762 = vector.load %arg2[%get3A_760, %get3A_761] : memref<256x256xf32, #tpu.memory_space<vmem>>, vector<256x256xf32>
      %get3A_763 = arith.constant 0 : index
      %get3A_764 = arith.constant 0 : index
      %get3A_765 = vector.load %arg3[%get3A_763, %get3A_764] : memref<256x192xf32, #tpu.memory_space<vmem>>, vector<256x192xf32>
      %dot_general3A_766 = arith.constant dense<0.000000e+00> : vector<256x192xf32>
      %dot_general3A_767 = tpu.matmul %get3A_762, %get3A_765, %dot_general3A_766 {dimension_numbers = #tpu.dot_dimension_numbers<[1], [0], [0], [1], [0, 0, 1, 1], [], []>, transpose_lhs_hint = false} : vector<256x256xf32>, vector<256x192xf32>, vector<256x192xf32> -> vector<256x192xf32>
      %get3A_768 = arith.constant 0 : index
      %get3A_769 = arith.constant 0 : index
      %get3A_770 = vector.load %arg4[%get3A_768, %get3A_769] : memref<1x192xf32, #tpu.memory_space<vmem>>, vector<1x192xf32>
      %add3A_771 = vector.broadcast %get3A_770 : vector<1x192xf32> to vector<256x192xf32>
      %add3A_772 = arith.addf %dot_general3A_767, %add3A_771 : vector<256x192xf32>
      %slice3A_773 = vector.extract_strided_slice %add3A_772 {offsets = [0, 0], sizes = [128, 64], strides = [1, 1]} : vector<256x192xf32> to vector<128x64xf32>
      %slice3A_774 = vector.extract_strided_slice %add3A_772 {offsets = [128, 0], sizes = [128, 64], strides = [1, 1]} : vector<256x192xf32> to vector<128x64xf32>
      %concatenate3A = tpu.concatenate %slice3A_773, %slice3A_774 in 1 : vector<128x64xf32>, vector<128x64xf32> -> vector<128x128xf32>
      %slice3A_775 = vector.extract_strided_slice %add3A_772 {offsets = [0, 64], sizes = [128, 64], strides = [1, 1]} : vector<256x192xf32> to vector<128x64xf32>
      %slice3A_776 = vector.extract_strided_slice %add3A_772 {offsets = [128, 64], sizes = [128, 64], strides = [1, 1]} : vector<256x192xf32> to vector<128x64xf32>
      %concatenate3A_777 = tpu.concatenate %slice3A_775, %slice3A_776 in 1 : vector<128x64xf32>, vector<128x64xf32> -> vector<128x128xf32>
      %slice3A_778 = vector.extract_strided_slice %add3A_772 {offsets = [0, 128], sizes = [128, 64], strides = [1, 1]} : vector<256x192xf32> to vector<128x64xf32>
      %slice3A_779 = vector.extract_strided_slice %add3A_772 {offsets = [128, 128], sizes = [128, 64], strides = [1, 1]} : vector<256x192xf32> to vector<128x64xf32>
      %concatenate3A_780 = tpu.concatenate %slice3A_778, %slice3A_779 in 1 : vector<128x64xf32>, vector<128x64xf32> -> vector<128x128xf32>
      %concatenate3A_781 = tpu.concatenate %concatenate3A, %concatenate3A_777, %concatenate3A_780 in 1 : vector<128x128xf32>, vector<128x128xf32>, vector<128x128xf32> -> vector<128x384xf32>
      %swap3A_782 = arith.constant 0 : index
      %swap3A_783 = arith.constant 0 : index
      %swap3A_784 = vector.load %arg9[%swap3A_782, %swap3A_783] : memref<128x384xf32, #tpu.memory_space<vmem>>, vector<128x384xf32>
      tpu.vector_store %arg9[%swap3A_782, %swap3A_783], %concatenate3A_781 {strides = array<i32>} : memref<128x384xf32, #tpu.memory_space<vmem>>, vector<128x384xf32>,
      %broadcast_in_dim3A_785 = arith.constant 0.000000e+00 : f32
      %broadcast_in_dim3A_786 = vector.broadcast %broadcast_in_dim3A_785 : f32 to vector<22x128x128xf32>
      %swap3A_787 = arith.constant 0 : index
      %swap3A_788 = arith.constant 0 : index
      %swap3A_789 = arith.constant 0 : index
      %swap3A_790 = vector.load %arg8[%swap3A_787, %swap3A_788, %swap3A_789] : memref<22x128x128xf32, #tpu.memory_space<vmem>>, vector<22x128x128xf32>
      tpu.vector_store %arg8[%swap3A_787, %swap3A_788, %swap3A_789], %broadcast_in_dim3A_786 {strides = array<i32>} : memref<22x128x128xf32, #tpu.memory_space<vmem>>, vector<22x128x128xf32>,
    } else {
    }
    %get3A = arith.constant 0 : index
    %get3A_2 = arith.constant 0 : index
    %get3A_3 = arith.constant 0 : index
    %get3A_4 = vector.load %arg8[%get3A, %get3A_2, %get3A_3] : memref<22x128x128xf32, #tpu.memory_space<vmem>>, vector<22x128x128xf32>
    %reshape3A = vector.shape_cast %get3A_4 : vector<22x128x128xf32> to vector<2816x128xf32>
    %get3A_5 = arith.constant 0 : index
    %get3A_6 = arith.constant 0 : index
    %get3A_7 = vector.load %arg5[%get3A_5, %get3A_6] : memref<128x128xf32, #tpu.memory_space<vmem>>, vector<128x128xf32>
    %dot_general3A = arith.constant dense<0.000000e+00> : vector<2816x128xf32>
    %dot_general3A_8 = tpu.matmul %reshape3A, %get3A_7, %dot_general3A {dimension_numbers = #tpu.dot_dimension_numbers<[1], [0], [0], [1], [0, 0, 1, 1], [], []>, transpose_lhs_hint = false} : vector<2816x128xf32>, vector<128x128xf32>, vector<2816x128xf32> -> vector<2816x128xf32>
    %reshape3A_9 = vector.shape_cast %dot_general3A_8 : vector<2816x128xf32> to vector<22x128x128xf32>
    %get3A_10 = arith.constant 0 : index
    %get3A_11 = arith.constant 0 : index
    %get3A_12 = vector.load %arg6[%get3A_10, %get3A_11] : memref<1x128xf32, #tpu.memory_space<vmem>>, vector<1x128xf32>
    %get3A_13 = arith.constant 0 : index
    %get3A_14 = arith.constant 0 : index
    %get3A_15 = vector.load %arg9[%get3A_13, %get3A_14] : memref<128x384xf32, #tpu.memory_space<vmem>>, vector<128x384xf32>
    %slice3A = vector.extract_strided_slice %get3A_15 {offsets = [0, 0], sizes = [128, 128], strides = [1, 1]} : vector<128x384xf32> to vector<128x128xf32>
    %broadcast_in_dim3A = vector.shape_cast %slice3A : vector<128x128xf32> to vector<1x128x128xf32>
    %slice3A_16 = vector.extract_strided_slice %get3A_15 {offsets = [0, 128], sizes = [128, 128], strides = [1, 1]} : vector<128x384xf32> to vector<128x128xf32>
    %broadcast_in_dim3A_17 = vector.shape_cast %slice3A_16 : vector<128x128xf32> to vector<1x128x128xf32>
    %slice3A_18 = vector.extract_strided_slice %get3A_15 {offsets = [0, 256], sizes = [128, 128], strides = [1, 1]} : vector<128x384xf32> to vector<128x128xf32>
    %broadcast_in_dim3A_19 = vector.shape_cast %slice3A_18 : vector<128x128xf32> to vector<1x128x128xf32>
    %slice3A_20 = vector.extract_strided_slice %reshape3A_9 {offsets = [1, 0, 0], sizes = [1, 128, 128], strides = [1, 1, 1]} : vector<22x128x128xf32> to vector<1x128x128xf32>
    %squeeze3A = vector.shape_cast %slice3A_20 : vector<1x128x128xf32> to vector<128x128xf32>
    %mul3A = arith.constant 0.138675049 : f32
    %mul3A_21 = vector.broadcast %mul3A : f32 to vector<128x128xf32>
    %mul3A_22 = arith.mulf %squeeze3A, %mul3A_21 : vector<128x128xf32>
    %add3A = vector.broadcast %get3A_12 : vector<1x128xf32> to vector<128x128xf32>
    %add3A_23 = arith.addf %add3A, %mul3A_22 : vector<128x128xf32>
    %slice3A_24 = vector.extract_strided_slice %reshape3A_9 {offsets = [2, 0, 0], sizes = [1, 128, 128], strides = [1, 1, 1]} : vector<22x128x128xf32> to vector<1x128x128xf32>
    %squeeze3A_25 = vector.shape_cast %slice3A_24 : vector<1x128x128xf32> to vector<128x128xf32>
    %mul3A_26 = arith.constant 0.138675049 : f32
    %mul3A_27 = vector.broadcast %mul3A_26 : f32 to vector<128x128xf32>
    %mul3A_28 = arith.mulf %squeeze3A_25, %mul3A_27 : vector<128x128xf32>
    %add3A_29 = arith.addf %add3A_23, %mul3A_28 : vector<128x128xf32>
    %slice3A_30 = vector.extract_strided_slice %reshape3A_9 {offsets = [3, 0, 0], sizes = [1, 128, 128], strides = [1, 1, 1]} : vector<22x128x128xf32> to vector<1x128x128xf32>
    %squeeze3A_31 = vector.shape_cast %slice3A_30 : vector<1x128x128xf32> to vector<128x128xf32>
    %mul3A_32 = arith.constant 0.124034733 : f32
    %mul3A_33 = vector.broadcast %mul3A_32 : f32 to vector<128x128xf32>
    %mul3A_34 = arith.mulf %squeeze3A_31, %mul3A_33 : vector<128x128xf32>
    %add3A_35 = arith.addf %add3A_29, %mul3A_34 : vector<128x128xf32>
    %slice3A_36 = vector.extract_strided_slice %reshape3A_9 {offsets = [4, 0, 0], sizes = [1, 128, 128], strides = [1, 1, 1]} : vector<22x128x128xf32> to vector<1x128x128xf32>
    %squeeze3A_37 = vector.shape_cast %slice3A_36 : vector<1x128x128xf32> to vector<128x128xf32>
    %mul3A_38 = arith.constant 0.138675049 : f32
    %mul3A_39 = vector.broadcast %mul3A_38 : f32 to vector<128x128xf32>
    %mul3A_40 = arith.mulf %squeeze3A_37, %mul3A_39 : vector<128x128xf32>
    %add3A_41 = arith.addf %add3A_35, %mul3A_40 : vector<128x128xf32>
    %slice3A_42 = vector.extract_strided_slice %reshape3A_9 {offsets = [5, 0, 0], sizes = [1, 128, 128], strides = [1, 1, 1]} : vector<22x128x128xf32> to vector<1x128x128xf32>
    %squeeze3A_43 = vector.shape_cast %slice3A_42 : vector<1x128x128xf32> to vector<128x128xf32>
    %mul3A_44 = arith.constant 0.138675049 : f32
    %mul3A_45 = vector.broadcast %mul3A_44 : f32 to vector<128x128xf32>
    %mul3A_46 = arith.mulf %squeeze3A_43, %mul3A_45 : vector<128x128xf32>
    %add3A_47 = arith.addf %add3A_41, %mul3A_46 : vector<128x128xf32>
    %slice3A_48 = vector.extract_strided_slice %reshape3A_9 {offsets = [6, 0, 0], sizes = [1, 128, 128], strides = [1, 1, 1]} : vector<22x128x128xf32> to vector<1x128x128xf32>
    %squeeze3A_49 = vector.shape_cast %slice3A_48 : vector<1x128x128xf32> to vector<128x128xf32>
    %mul3A_50 = arith.constant 0.124034733 : f32
    %mul3A_51 = vector.broadcast %mul3A_50 : f32 to vector<128x128xf32>
    %mul3A_52 = arith.mulf %squeeze3A_49, %mul3A_51 : vector<128x128xf32>
    %add3A_53 = arith.addf %add3A_47, %mul3A_52 : vector<128x128xf32>
    %slice3A_54 = vector.extract_strided_slice %reshape3A_9 {offsets = [7, 0, 0], sizes = [1, 128, 128], strides = [1, 1, 1]} : vector<22x128x128xf32> to vector<1x128x128xf32>
    %squeeze3A_55 = vector.shape_cast %slice3A_54 : vector<1x128x128xf32> to vector<128x128xf32>
    %mul3A_56 = arith.constant 0.138675049 : f32
    %mul3A_57 = vector.broadcast %mul3A_56 : f32 to vector<128x128xf32>
    %mul3A_58 = arith.mulf %squeeze3A_55, %mul3A_57 : vector<128x128xf32>
    %add3A_59 = arith.addf %add3A_53, %mul3A_58 : vector<128x128xf32>
    %slice3A_60 = vector.extract_strided_slice %reshape3A_9 {offsets = [8, 0, 0], sizes = [1, 128, 128], strides = [1, 1, 1]} : vector<22x128x128xf32> to vector<1x128x128xf32>
    %squeeze3A_61 = vector.shape_cast %slice3A_60 : vector<1x128x128xf32> to vector<128x128xf32>
    %mul3A_62 = arith.constant 0.138675049 : f32
    %mul3A_63 = vector.broadcast %mul3A_62 : f32 to vector<128x128xf32>
    %mul3A_64 = arith.mulf %squeeze3A_61, %mul3A_63 : vector<128x128xf32>
    %add3A_65 = arith.addf %add3A_59, %mul3A_64 : vector<128x128xf32>
    %slice3A_66 = vector.extract_strided_slice %reshape3A_9 {offsets = [9, 0, 0], sizes = [1, 128, 128], strides = [1, 1, 1]} : vector<22x128x128xf32> to vector<1x128x128xf32>
    %squeeze3A_67 = vector.shape_cast %slice3A_66 : vector<1x128x128xf32> to vector<128x128xf32>
    %mul3A_68 = arith.constant 0.0769230798 : f32
    %mul3A_69 = vector.broadcast %mul3A_68 : f32 to vector<128x128xf32>
    %mul3A_70 = arith.mulf %squeeze3A_67, %mul3A_69 : vector<128x128xf32>
    %add3A_71 = arith.addf %add3A_65, %mul3A_70 : vector<128x128xf32>
    %slice3A_72 = vector.extract_strided_slice %reshape3A_9 {offsets = [10, 0, 0], sizes = [1, 128, 128], strides = [1, 1, 1]} : vector<22x128x128xf32> to vector<1x128x128xf32>
    %squeeze3A_73 = vector.shape_cast %slice3A_72 : vector<1x128x128xf32> to vector<128x128xf32>
    %mul3A_74 = arith.constant 0.138675049 : f32
    %mul3A_75 = vector.broadcast %mul3A_74 : f32 to vector<128x128xf32>
    %mul3A_76 = arith.mulf %squeeze3A_73, %mul3A_75 : vector<128x128xf32>
    %add3A_77 = arith.addf %add3A_71, %mul3A_76 : vector<128x128xf32>
    %slice3A_78 = vector.extract_strided_slice %reshape3A_9 {offsets = [11, 0, 0], sizes = [1, 128, 128], strides = [1, 1, 1]} : vector<22x128x128xf32> to vector<1x128x128xf32>
    %squeeze3A_79 = vector.shape_cast %slice3A_78 : vector<1x128x128xf32> to vector<128x128xf32>
    %mul3A_80 = arith.constant 0.138675049 : f32
    %mul3A_81 = vector.broadcast %mul3A_80 : f32 to vector<128x128xf32>
    %mul3A_82 = arith.mulf %squeeze3A_79, %mul3A_81 : vector<128x128xf32>
    %add3A_83 = arith.addf %add3A_77, %mul3A_82 : vector<128x128xf32>
    %slice3A_84 = vector.extract_strided_slice %reshape3A_9 {offsets = [12, 0, 0], sizes = [1, 128, 128], strides = [1, 1, 1]} : vector<22x128x128xf32> to vector<1x128x128xf32>
    %squeeze3A_85 = vector.shape_cast %slice3A_84 : vector<1x128x128xf32> to vector<128x128xf32>
    %mul3A_86 = arith.constant 0.124034733 : f32
    %mul3A_87 = vector.broadcast %mul3A_86 : f32 to vector<128x128xf32>
    %mul3A_88 = arith.mulf %squeeze3A_85, %mul3A_87 : vector<128x128xf32>
    %add3A_89 = arith.addf %add3A_83, %mul3A_88 : vector<128x128xf32>
    %slice3A_90 = vector.extract_strided_slice %reshape3A_9 {offsets = [15, 0, 0], sizes = [1, 128, 128], strides = [1, 1, 1]} : vector<22x128x128xf32> to vector<1x128x128xf32>
    %squeeze3A_91 = vector.shape_cast %slice3A_90 : vector<1x128x128xf32> to vector<128x128xf32>
    %mul3A_92 = arith.constant 0.124034733 : f32
    %mul3A_93 = vector.broadcast %mul3A_92 : f32 to vector<128x128xf32>
    %mul3A_94 = arith.mulf %squeeze3A_91, %mul3A_93 : vector<128x128xf32>
    %add3A_95 = arith.addf %add3A_89, %mul3A_94 : vector<128x128xf32>
    %slice3A_96 = vector.extract_strided_slice %reshape3A_9 {offsets = [0, 0, 0], sizes = [1, 128, 128], strides = [1, 1, 1]} : vector<22x128x128xf32> to vector<1x128x128xf32>
    %squeeze3A_97 = vector.shape_cast %slice3A_96 : vector<1x128x128xf32> to vector<128x128xf32>
    %mul3A_98 = arith.constant 0.138675049 : f32
    %mul3A_99 = vector.broadcast %mul3A_98 : f32 to vector<128x128xf32>
    %mul3A_100 = arith.mulf %squeeze3A_97, %mul3A_99 : vector<128x128xf32>
    %add3A_101 = vector.broadcast %get3A_12 : vector<1x128xf32> to vector<128x128xf32>
    %add3A_102 = arith.addf %add3A_101, %mul3A_100 : vector<128x128xf32>
    %slice3A_103 = vector.extract_strided_slice %reshape3A_9 {offsets = [4, 0, 0], sizes = [1, 128, 128], strides = [1, 1, 1]} : vector<22x128x128xf32> to vector<1x128x128xf32>
    %squeeze3A_104 = vector.shape_cast %slice3A_103 : vector<1x128x128xf32> to vector<128x128xf32>
    %mul3A_105 = arith.constant 2.500000e-01 : f32
    %mul3A_106 = vector.broadcast %mul3A_105 : f32 to vector<128x128xf32>
    %mul3A_107 = arith.mulf %squeeze3A_104, %mul3A_106 : vector<128x128xf32>
    %add3A_108 = arith.addf %add3A_102, %mul3A_107 : vector<128x128xf32>
    %slice3A_109 = vector.extract_strided_slice %reshape3A_9 {offsets = [7, 0, 0], sizes = [1, 128, 128], strides = [1, 1, 1]} : vector<22x128x128xf32> to vector<1x128x128xf32>
    %squeeze3A_110 = vector.shape_cast %slice3A_109 : vector<1x128x128xf32> to vector<128x128xf32>
    %mul3A_111 = arith.constant 2.500000e-01 : f32
    %mul3A_112 = vector.broadcast %mul3A_111 : f32 to vector<128x128xf32>
    %mul3A_113 = arith.mulf %squeeze3A_110, %mul3A_112 : vector<128x128xf32>
    %add3A_114 = arith.addf %add3A_108, %mul3A_113 : vector<128x128xf32>
    %slice3A_115 = vector.extract_strided_slice %reshape3A_9 {offsets = [10, 0, 0], sizes = [1, 128, 128], strides = [1, 1, 1]} : vector<22x128x128xf32> to vector<1x128x128xf32>
    %squeeze3A_116 = vector.shape_cast %slice3A_115 : vector<1x128x128xf32> to vector<128x128xf32>
    %mul3A_117 = arith.constant 2.500000e-01 : f32
    %mul3A_118 = vector.broadcast %mul3A_117 : f32 to vector<128x128xf32>
    %mul3A_119 = arith.mulf %squeeze3A_116, %mul3A_118 : vector<128x128xf32>
    %add3A_120 = arith.addf %add3A_114, %mul3A_119 : vector<128x128xf32>
    %slice3A_121 = vector.extract_strided_slice %reshape3A_9 {offsets = [0, 0, 0], sizes = [1, 128, 128], strides = [1, 1, 1]} : vector<22x128x128xf32> to vector<1x128x128xf32>
    %squeeze3A_122 = vector.shape_cast %slice3A_121 : vector<1x128x128xf32> to vector<128x128xf32>
    %mul3A_123 = arith.constant 0.138675049 : f32
    %mul3A_124 = vector.broadcast %mul3A_123 : f32 to vector<128x128xf32>
    %mul3A_125 = arith.mulf %squeeze3A_122, %mul3A_124 : vector<128x128xf32>
    %add3A_126 = vector.broadcast %get3A_12 : vector<1x128xf32> to vector<128x128xf32>
    %add3A_127 = arith.addf %add3A_126, %mul3A_125 : vector<128x128xf32>
    %slice3A_128 = vector.extract_strided_slice %reshape3A_9 {offsets = [5, 0, 0], sizes = [1, 128, 128], strides = [1, 1, 1]} : vector<22x128x128xf32> to vector<1x128x128xf32>
    %squeeze3A_129 = vector.shape_cast %slice3A_128 : vector<1x128x128xf32> to vector<128x128xf32>
    %mul3A_130 = arith.constant 2.500000e-01 : f32
    %mul3A_131 = vector.broadcast %mul3A_130 : f32 to vector<128x128xf32>
    %mul3A_132 = arith.mulf %squeeze3A_129, %mul3A_131 : vector<128x128xf32>
    %add3A_133 = arith.addf %add3A_127, %mul3A_132 : vector<128x128xf32>
    %slice3A_134 = vector.extract_strided_slice %reshape3A_9 {offsets = [8, 0, 0], sizes = [1, 128, 128], strides = [1, 1, 1]} : vector<22x128x128xf32> to vector<1x128x128xf32>
    %squeeze3A_135 = vector.shape_cast %slice3A_134 : vector<1x128x128xf32> to vector<128x128xf32>
    %mul3A_136 = arith.constant 2.500000e-01 : f32
    %mul3A_137 = vector.broadcast %mul3A_136 : f32 to vector<128x128xf32>
    %mul3A_138 = arith.mulf %squeeze3A_135, %mul3A_137 : vector<128x128xf32>
    %add3A_139 = arith.addf %add3A_133, %mul3A_138 : vector<128x128xf32>
    %slice3A_140 = vector.extract_strided_slice %reshape3A_9 {offsets = [11, 0, 0], sizes = [1, 128, 128], strides = [1, 1, 1]} : vector<22x128x128xf32> to vector<1x128x128xf32>
    %squeeze3A_141 = vector.shape_cast %slice3A_140 : vector<1x128x128xf32> to vector<128x128xf32>
    %mul3A_142 = arith.constant 2.500000e-01 : f32
    %mul3A_143 = vector.broadcast %mul3A_142 : f32 to vector<128x128xf32>
    %mul3A_144 = arith.mulf %squeeze3A_141, %mul3A_143 : vector<128x128xf32>
    %add3A_145 = arith.addf %add3A_139, %mul3A_144 : vector<128x128xf32>
    %slice3A_146 = vector.extract_strided_slice %reshape3A_9 {offsets = [0, 0, 0], sizes = [1, 128, 128], strides = [1, 1, 1]} : vector<22x128x128xf32> to vector<1x128x128xf32>
    %squeeze3A_147 = vector.shape_cast %slice3A_146 : vector<1x128x128xf32> to vector<128x128xf32>
    %mul3A_148 = arith.constant 0.124034733 : f32
    %mul3A_149 = vector.broadcast %mul3A_148 : f32 to vector<128x128xf32>
    %mul3A_150 = arith.mulf %squeeze3A_147, %mul3A_149 : vector<128x128xf32>
    %add3A_151 = vector.broadcast %get3A_12 : vector<1x128xf32> to vector<128x128xf32>
    %add3A_152 = arith.addf %add3A_151, %mul3A_150 : vector<128x128xf32>
    %slice3A_153 = vector.extract_strided_slice %reshape3A_9 {offsets = [6, 0, 0], sizes = [1, 128, 128], strides = [1, 1, 1]} : vector<22x128x128xf32> to vector<1x128x128xf32>
    %squeeze3A_154 = vector.shape_cast %slice3A_153 : vector<1x128x128xf32> to vector<128x128xf32>
    %mul3A_155 = arith.constant 2.000000e-01 : f32
    %mul3A_156 = vector.broadcast %mul3A_155 : f32 to vector<128x128xf32>
    %mul3A_157 = arith.mulf %squeeze3A_154, %mul3A_156 : vector<128x128xf32>
    %add3A_158 = arith.addf %add3A_152, %mul3A_157 : vector<128x128xf32>
    %slice3A_159 = vector.extract_strided_slice %reshape3A_9 {offsets = [9, 0, 0], sizes = [1, 128, 128], strides = [1, 1, 1]} : vector<22x128x128xf32> to vector<1x128x128xf32>
    %squeeze3A_160 = vector.shape_cast %slice3A_159 : vector<1x128x128xf32> to vector<128x128xf32>
    %mul3A_161 = arith.constant 0.124034733 : f32
    %mul3A_162 = vector.broadcast %mul3A_161 : f32 to vector<128x128xf32>
    %mul3A_163 = arith.mulf %squeeze3A_160, %mul3A_162 : vector<128x128xf32>
    %add3A_164 = arith.addf %add3A_158, %mul3A_163 : vector<128x128xf32>
    %slice3A_165 = vector.extract_strided_slice %reshape3A_9 {offsets = [12, 0, 0], sizes = [1, 128, 128], strides = [1, 1, 1]} : vector<22x128x128xf32> to vector<1x128x128xf32>
    %squeeze3A_166 = vector.shape_cast %slice3A_165 : vector<1x128x128xf32> to vector<128x128xf32>
    %mul3A_167 = arith.constant 2.000000e-01 : f32
    %mul3A_168 = vector.broadcast %mul3A_167 : f32 to vector<128x128xf32>
    %mul3A_169 = arith.mulf %squeeze3A_166, %mul3A_168 : vector<128x128xf32>
    %add3A_170 = arith.addf %add3A_164, %mul3A_169 : vector<128x128xf32>
    %slice3A_171 = vector.extract_strided_slice %reshape3A_9 {offsets = [15, 0, 0], sizes = [1, 128, 128], strides = [1, 1, 1]} : vector<22x128x128xf32> to vector<1x128x128xf32>
    %squeeze3A_172 = vector.shape_cast %slice3A_171 : vector<1x128x128xf32> to vector<128x128xf32>
    %mul3A_173 = arith.constant 2.000000e-01 : f32
    %mul3A_174 = vector.broadcast %mul3A_173 : f32 to vector<128x128xf32>
    %mul3A_175 = arith.mulf %squeeze3A_172, %mul3A_174 : vector<128x128xf32>
    %add3A_176 = arith.addf %add3A_170, %mul3A_175 : vector<128x128xf32>
    %slice3A_177 = vector.extract_strided_slice %reshape3A_9 {offsets = [0, 0, 0], sizes = [1, 128, 128], strides = [1, 1, 1]} : vector<22x128x128xf32> to vector<1x128x128xf32>
    %squeeze3A_178 = vector.shape_cast %slice3A_177 : vector<1x128x128xf32> to vector<128x128xf32>
    %mul3A_179 = arith.constant 0.138675049 : f32
    %mul3A_180 = vector.broadcast %mul3A_179 : f32 to vector<128x128xf32>
    %mul3A_181 = arith.mulf %squeeze3A_178, %mul3A_180 : vector<128x128xf32>
    %add3A_182 = vector.broadcast %get3A_12 : vector<1x128xf32> to vector<128x128xf32>
    %add3A_183 = arith.addf %add3A_182, %mul3A_181 : vector<128x128xf32>
    %slice3A_184 = vector.extract_strided_slice %reshape3A_9 {offsets = [1, 0, 0], sizes = [1, 128, 128], strides = [1, 1, 1]} : vector<22x128x128xf32> to vector<1x128x128xf32>
    %squeeze3A_185 = vector.shape_cast %slice3A_184 : vector<1x128x128xf32> to vector<128x128xf32>
    %mul3A_186 = arith.constant 2.500000e-01 : f32
    %mul3A_187 = vector.broadcast %mul3A_186 : f32 to vector<128x128xf32>
    %mul3A_188 = arith.mulf %squeeze3A_185, %mul3A_187 : vector<128x128xf32>
    %add3A_189 = arith.addf %add3A_183, %mul3A_188 : vector<128x128xf32>
    %slice3A_190 = vector.extract_strided_slice %reshape3A_9 {offsets = [7, 0, 0], sizes = [1, 128, 128], strides = [1, 1, 1]} : vector<22x128x128xf32> to vector<1x128x128xf32>
    %squeeze3A_191 = vector.shape_cast %slice3A_190 : vector<1x128x128xf32> to vector<128x128xf32>
    %mul3A_192 = arith.constant 2.500000e-01 : f32
    %mul3A_193 = vector.broadcast %mul3A_192 : f32 to vector<128x128xf32>
    %mul3A_194 = arith.mulf %squeeze3A_191, %mul3A_193 : vector<128x128xf32>
    %add3A_195 = arith.addf %add3A_189, %mul3A_194 : vector<128x128xf32>
    %slice3A_196 = vector.extract_strided_slice %reshape3A_9 {offsets = [10, 0, 0], sizes = [1, 128, 128], strides = [1, 1, 1]} : vector<22x128x128xf32> to vector<1x128x128xf32>
    %squeeze3A_197 = vector.shape_cast %slice3A_196 : vector<1x128x128xf32> to vector<128x128xf32>
    %mul3A_198 = arith.constant 2.500000e-01 : f32
    %mul3A_199 = vector.broadcast %mul3A_198 : f32 to vector<128x128xf32>
    %mul3A_200 = arith.mulf %squeeze3A_197, %mul3A_199 : vector<128x128xf32>
    %add3A_201 = arith.addf %add3A_195, %mul3A_200 : vector<128x128xf32>
    %slice3A_202 = vector.extract_strided_slice %reshape3A_9 {offsets = [0, 0, 0], sizes = [1, 128, 128], strides = [1, 1, 1]} : vector<22x128x128xf32> to vector<1x128x128xf32>
    %squeeze3A_203 = vector.shape_cast %slice3A_202 : vector<1x128x128xf32> to vector<128x128xf32>
    %mul3A_204 = arith.constant 0.138675049 : f32
    %mul3A_205 = vector.broadcast %mul3A_204 : f32 to vector<128x128xf32>
    %mul3A_206 = arith.mulf %squeeze3A_203, %mul3A_205 : vector<128x128xf32>
    %add3A_207 = vector.broadcast %get3A_12 : vector<1x128xf32> to vector<128x128xf32>
    %add3A_208 = arith.addf %add3A_207, %mul3A_206 : vector<128x128xf32>
    %slice3A_209 = vector.extract_strided_slice %reshape3A_9 {offsets = [2, 0, 0], sizes = [1, 128, 128], strides = [1, 1, 1]} : vector<22x128x128xf32> to vector<1x128x128xf32>
    %squeeze3A_210 = vector.shape_cast %slice3A_209 : vector<1x128x128xf32> to vector<128x128xf32>
    %mul3A_211 = arith.constant 2.500000e-01 : f32
    %mul3A_212 = vector.broadcast %mul3A_211 : f32 to vector<128x128xf32>
    %mul3A_213 = arith.mulf %squeeze3A_210, %mul3A_212 : vector<128x128xf32>
    %add3A_214 = arith.addf %add3A_208, %mul3A_213 : vector<128x128xf32>
    %slice3A_215 = vector.extract_strided_slice %reshape3A_9 {offsets = [8, 0, 0], sizes = [1, 128, 128], strides = [1, 1, 1]} : vector<22x128x128xf32> to vector<1x128x128xf32>
    %squeeze3A_216 = vector.shape_cast %slice3A_215 : vector<1x128x128xf32> to vector<128x128xf32>
    %mul3A_217 = arith.constant 2.500000e-01 : f32
    %mul3A_218 = vector.broadcast %mul3A_217 : f32 to vector<128x128xf32>
    %mul3A_219 = arith.mulf %squeeze3A_216, %mul3A_218 : vector<128x128xf32>
    %add3A_220 = arith.addf %add3A_214, %mul3A_219 : vector<128x128xf32>
    %slice3A_221 = vector.extract_strided_slice %reshape3A_9 {offsets = [11, 0, 0], sizes = [1, 128, 128], strides = [1, 1, 1]} : vector<22x128x128xf32> to vector<1x128x128xf32>
    %squeeze3A_222 = vector.shape_cast %slice3A_221 : vector<1x128x128xf32> to vector<128x128xf32>
    %mul3A_223 = arith.constant 2.500000e-01 : f32
    %mul3A_224 = vector.broadcast %mul3A_223 : f32 to vector<128x128xf32>
    %mul3A_225 = arith.mulf %squeeze3A_222, %mul3A_224 : vector<128x128xf32>
    %add3A_226 = arith.addf %add3A_220, %mul3A_225 : vector<128x128xf32>
    %slice3A_227 = vector.extract_strided_slice %reshape3A_9 {offsets = [0, 0, 0], sizes = [1, 128, 128], strides = [1, 1, 1]} : vector<22x128x128xf32> to vector<1x128x128xf32>
    %squeeze3A_228 = vector.shape_cast %slice3A_227 : vector<1x128x128xf32> to vector<128x128xf32>
    %mul3A_229 = arith.constant 0.124034733 : f32
    %mul3A_230 = vector.broadcast %mul3A_229 : f32 to vector<128x128xf32>
    %mul3A_231 = arith.mulf %squeeze3A_228, %mul3A_230 : vector<128x128xf32>
    %add3A_232 = vector.broadcast %get3A_12 : vector<1x128xf32> to vector<128x128xf32>
    %add3A_233 = arith.addf %add3A_232, %mul3A_231 : vector<128x128xf32>
    %slice3A_234 = vector.extract_strided_slice %reshape3A_9 {offsets = [3, 0, 0], sizes = [1, 128, 128], strides = [1, 1, 1]} : vector<22x128x128xf32> to vector<1x128x128xf32>
    %squeeze3A_235 = vector.shape_cast %slice3A_234 : vector<1x128x128xf32> to vector<128x128xf32>
    %mul3A_236 = arith.constant 2.000000e-01 : f32
    %mul3A_237 = vector.broadcast %mul3A_236 : f32 to vector<128x128xf32>
    %mul3A_238 = arith.mulf %squeeze3A_235, %mul3A_237 : vector<128x128xf32>
    %add3A_239 = arith.addf %add3A_233, %mul3A_238 : vector<128x128xf32>
    %slice3A_240 = vector.extract_strided_slice %reshape3A_9 {offsets = [9, 0, 0], sizes = [1, 128, 128], strides = [1, 1, 1]} : vector<22x128x128xf32> to vector<1x128x128xf32>
    %squeeze3A_241 = vector.shape_cast %slice3A_240 : vector<1x128x128xf32> to vector<128x128xf32>
    %mul3A_242 = arith.constant 0.124034733 : f32
    %mul3A_243 = vector.broadcast %mul3A_242 : f32 to vector<128x128xf32>
    %mul3A_244 = arith.mulf %squeeze3A_241, %mul3A_243 : vector<128x128xf32>
    %add3A_245 = arith.addf %add3A_239, %mul3A_244 : vector<128x128xf32>
    %slice3A_246 = vector.extract_strided_slice %reshape3A_9 {offsets = [12, 0, 0], sizes = [1, 128, 128], strides = [1, 1, 1]} : vector<22x128x128xf32> to vector<1x128x128xf32>
    %squeeze3A_247 = vector.shape_cast %slice3A_246 : vector<1x128x128xf32> to vector<128x128xf32>
    %mul3A_248 = arith.constant 2.000000e-01 : f32
    %mul3A_249 = vector.broadcast %mul3A_248 : f32 to vector<128x128xf32>
    %mul3A_250 = arith.mulf %squeeze3A_247, %mul3A_249 : vector<128x128xf32>
    %add3A_251 = arith.addf %add3A_245, %mul3A_250 : vector<128x128xf32>
    %slice3A_252 = vector.extract_strided_slice %reshape3A_9 {offsets = [15, 0, 0], sizes = [1, 128, 128], strides = [1, 1, 1]} : vector<22x128x128xf32> to vector<1x128x128xf32>
    %squeeze3A_253 = vector.shape_cast %slice3A_252 : vector<1x128x128xf32> to vector<128x128xf32>
    %mul3A_254 = arith.constant 2.000000e-01 : f32
    %mul3A_255 = vector.broadcast %mul3A_254 : f32 to vector<128x128xf32>
    %mul3A_256 = arith.mulf %squeeze3A_253, %mul3A_255 : vector<128x128xf32>
    %add3A_257 = arith.addf %add3A_251, %mul3A_256 : vector<128x128xf32>
    %slice3A_258 = vector.extract_strided_slice %reshape3A_9 {offsets = [0, 0, 0], sizes = [1, 128, 128], strides = [1, 1, 1]} : vector<22x128x128xf32> to vector<1x128x128xf32>
    %squeeze3A_259 = vector.shape_cast %slice3A_258 : vector<1x128x128xf32> to vector<128x128xf32>
    %mul3A_260 = arith.constant 0.138675049 : f32
    %mul3A_261 = vector.broadcast %mul3A_260 : f32 to vector<128x128xf32>
    %mul3A_262 = arith.mulf %squeeze3A_259, %mul3A_261 : vector<128x128xf32>
    %add3A_263 = vector.broadcast %get3A_12 : vector<1x128xf32> to vector<128x128xf32>
    %add3A_264 = arith.addf %add3A_263, %mul3A_262 : vector<128x128xf32>
    %slice3A_265 = vector.extract_strided_slice %reshape3A_9 {offsets = [1, 0, 0], sizes = [1, 128, 128], strides = [1, 1, 1]} : vector<22x128x128xf32> to vector<1x128x128xf32>
    %squeeze3A_266 = vector.shape_cast %slice3A_265 : vector<1x128x128xf32> to vector<128x128xf32>
    %mul3A_267 = arith.constant 2.500000e-01 : f32
    %mul3A_268 = vector.broadcast %mul3A_267 : f32 to vector<128x128xf32>
    %mul3A_269 = arith.mulf %squeeze3A_266, %mul3A_268 : vector<128x128xf32>
    %add3A_270 = arith.addf %add3A_264, %mul3A_269 : vector<128x128xf32>
    %slice3A_271 = vector.extract_strided_slice %reshape3A_9 {offsets = [4, 0, 0], sizes = [1, 128, 128], strides = [1, 1, 1]} : vector<22x128x128xf32> to vector<1x128x128xf32>
    %squeeze3A_272 = vector.shape_cast %slice3A_271 : vector<1x128x128xf32> to vector<128x128xf32>
    %mul3A_273 = arith.constant 2.500000e-01 : f32
    %mul3A_274 = vector.broadcast %mul3A_273 : f32 to vector<128x128xf32>
    %mul3A_275 = arith.mulf %squeeze3A_272, %mul3A_274 : vector<128x128xf32>
    %add3A_276 = arith.addf %add3A_270, %mul3A_275 : vector<128x128xf32>
    %slice3A_277 = vector.extract_strided_slice %reshape3A_9 {offsets = [10, 0, 0], sizes = [1, 128, 128], strides = [1, 1, 1]} : vector<22x128x128xf32> to vector<1x128x128xf32>
    %squeeze3A_278 = vector.shape_cast %slice3A_277 : vector<1x128x128xf32> to vector<128x128xf32>
    %mul3A_279 = arith.constant 2.500000e-01 : f32
    %mul3A_280 = vector.broadcast %mul3A_279 : f32 to vector<128x128xf32>
    %mul3A_281 = arith.mulf %squeeze3A_278, %mul3A_280 : vector<128x128xf32>
    %add3A_282 = arith.addf %add3A_276, %mul3A_281 : vector<128x128xf32>
    %slice3A_283 = vector.extract_strided_slice %reshape3A_9 {offsets = [0, 0, 0], sizes = [1, 128, 128], strides = [1, 1, 1]} : vector<22x128x128xf32> to vector<1x128x128xf32>
    %squeeze3A_284 = vector.shape_cast %slice3A_283 : vector<1x128x128xf32> to vector<128x128xf32>
    %mul3A_285 = arith.constant 0.138675049 : f32
    %mul3A_286 = vector.broadcast %mul3A_285 : f32 to vector<128x128xf32>
    %mul3A_287 = arith.mulf %squeeze3A_284, %mul3A_286 : vector<128x128xf32>
    %add3A_288 = vector.broadcast %get3A_12 : vector<1x128xf32> to vector<128x128xf32>
    %add3A_289 = arith.addf %add3A_288, %mul3A_287 : vector<128x128xf32>
    %slice3A_290 = vector.extract_strided_slice %reshape3A_9 {offsets = [2, 0, 0], sizes = [1, 128, 128], strides = [1, 1, 1]} : vector<22x128x128xf32> to vector<1x128x128xf32>
    %squeeze3A_291 = vector.shape_cast %slice3A_290 : vector<1x128x128xf32> to vector<128x128xf32>
    %mul3A_292 = arith.constant 2.500000e-01 : f32
    %mul3A_293 = vector.broadcast %mul3A_292 : f32 to vector<128x128xf32>
    %mul3A_294 = arith.mulf %squeeze3A_291, %mul3A_293 : vector<128x128xf32>
    %add3A_295 = arith.addf %add3A_289, %mul3A_294 : vector<128x128xf32>
    %slice3A_296 = vector.extract_strided_slice %reshape3A_9 {offsets = [5, 0, 0], sizes = [1, 128, 128], strides = [1, 1, 1]} : vector<22x128x128xf32> to vector<1x128x128xf32>
    %squeeze3A_297 = vector.shape_cast %slice3A_296 : vector<1x128x128xf32> to vector<128x128xf32>
    %mul3A_298 = arith.constant 2.500000e-01 : f32
    %mul3A_299 = vector.broadcast %mul3A_298 : f32 to vector<128x128xf32>
    %mul3A_300 = arith.mulf %squeeze3A_297, %mul3A_299 : vector<128x128xf32>
    %add3A_301 = arith.addf %add3A_295, %mul3A_300 : vector<128x128xf32>
    %slice3A_302 = vector.extract_strided_slice %reshape3A_9 {offsets = [11, 0, 0], sizes = [1, 128, 128], strides = [1, 1, 1]} : vector<22x128x128xf32> to vector<1x128x128xf32>
    %squeeze3A_303 = vector.shape_cast %slice3A_302 : vector<1x128x128xf32> to vector<128x128xf32>
    %mul3A_304 = arith.constant 2.500000e-01 : f32
    %mul3A_305 = vector.broadcast %mul3A_304 : f32 to vector<128x128xf32>
    %mul3A_306 = arith.mulf %squeeze3A_303, %mul3A_305 : vector<128x128xf32>
    %add3A_307 = arith.addf %add3A_301, %mul3A_306 : vector<128x128xf32>
    %slice3A_308 = vector.extract_strided_slice %reshape3A_9 {offsets = [0, 0, 0], sizes = [1, 128, 128], strides = [1, 1, 1]} : vector<22x128x128xf32> to vector<1x128x128xf32>
    %squeeze3A_309 = vector.shape_cast %slice3A_308 : vector<1x128x128xf32> to vector<128x128xf32>
    %mul3A_310 = arith.constant 0.0769230798 : f32
    %mul3A_311 = vector.broadcast %mul3A_310 : f32 to vector<128x128xf32>
    %mul3A_312 = arith.mulf %squeeze3A_309, %mul3A_311 : vector<128x128xf32>
    %add3A_313 = vector.broadcast %get3A_12 : vector<1x128xf32> to vector<128x128xf32>
    %add3A_314 = arith.addf %add3A_313, %mul3A_312 : vector<128x128xf32>
    %slice3A_315 = vector.extract_strided_slice %reshape3A_9 {offsets = [3, 0, 0], sizes = [1, 128, 128], strides = [1, 1, 1]} : vector<22x128x128xf32> to vector<1x128x128xf32>
    %squeeze3A_316 = vector.shape_cast %slice3A_315 : vector<1x128x128xf32> to vector<128x128xf32>
    %mul3A_317 = arith.constant 0.124034733 : f32
    %mul3A_318 = vector.broadcast %mul3A_317 : f32 to vector<128x128xf32>
    %mul3A_319 = arith.mulf %squeeze3A_316, %mul3A_318 : vector<128x128xf32>
    %add3A_320 = arith.addf %add3A_314, %mul3A_319 : vector<128x128xf32>
    %slice3A_321 = vector.extract_strided_slice %reshape3A_9 {offsets = [6, 0, 0], sizes = [1, 128, 128], strides = [1, 1, 1]} : vector<22x128x128xf32> to vector<1x128x128xf32>
    %squeeze3A_322 = vector.shape_cast %slice3A_321 : vector<1x128x128xf32> to vector<128x128xf32>
    %mul3A_323 = arith.constant 0.124034733 : f32
    %mul3A_324 = vector.broadcast %mul3A_323 : f32 to vector<128x128xf32>
    %mul3A_325 = arith.mulf %squeeze3A_322, %mul3A_324 : vector<128x128xf32>
    %add3A_326 = arith.addf %add3A_320, %mul3A_325 : vector<128x128xf32>
    %slice3A_327 = vector.extract_strided_slice %reshape3A_9 {offsets = [12, 0, 0], sizes = [1, 128, 128], strides = [1, 1, 1]} : vector<22x128x128xf32> to vector<1x128x128xf32>
    %squeeze3A_328 = vector.shape_cast %slice3A_327 : vector<1x128x128xf32> to vector<128x128xf32>
    %mul3A_329 = arith.constant 0.124034733 : f32
    %mul3A_330 = vector.broadcast %mul3A_329 : f32 to vector<128x128xf32>
    %mul3A_331 = arith.mulf %squeeze3A_328, %mul3A_330 : vector<128x128xf32>
    %add3A_332 = arith.addf %add3A_326, %mul3A_331 : vector<128x128xf32>
    %slice3A_333 = vector.extract_strided_slice %reshape3A_9 {offsets = [13, 0, 0], sizes = [1, 128, 128], strides = [1, 1, 1]} : vector<22x128x128xf32> to vector<1x128x128xf32>
    %squeeze3A_334 = vector.shape_cast %slice3A_333 : vector<1x128x128xf32> to vector<128x128xf32>
    %mul3A_335 = arith.constant 0.138675049 : f32
    %mul3A_336 = vector.broadcast %mul3A_335 : f32 to vector<128x128xf32>
    %mul3A_337 = arith.mulf %squeeze3A_334, %mul3A_336 : vector<128x128xf32>
    %add3A_338 = arith.addf %add3A_332, %mul3A_337 : vector<128x128xf32>
    %slice3A_339 = vector.extract_strided_slice %reshape3A_9 {offsets = [14, 0, 0], sizes = [1, 128, 128], strides = [1, 1, 1]} : vector<22x128x128xf32> to vector<1x128x128xf32>
    %squeeze3A_340 = vector.shape_cast %slice3A_339 : vector<1x128x128xf32> to vector<128x128xf32>
    %mul3A_341 = arith.constant 0.138675049 : f32
    %mul3A_342 = vector.broadcast %mul3A_341 : f32 to vector<128x128xf32>
    %mul3A_343 = arith.mulf %squeeze3A_340, %mul3A_342 : vector<128x128xf32>
    %add3A_344 = arith.addf %add3A_338, %mul3A_343 : vector<128x128xf32>
    %slice3A_345 = vector.extract_strided_slice %reshape3A_9 {offsets = [15, 0, 0], sizes = [1, 128, 128], strides = [1, 1, 1]} : vector<22x128x128xf32> to vector<1x128x128xf32>
    %squeeze3A_346 = vector.shape_cast %slice3A_345 : vector<1x128x128xf32> to vector<128x128xf32>
    %mul3A_347 = arith.constant 0.124034733 : f32
    %mul3A_348 = vector.broadcast %mul3A_347 : f32 to vector<128x128xf32>
    %mul3A_349 = arith.mulf %squeeze3A_346, %mul3A_348 : vector<128x128xf32>
    %add3A_350 = arith.addf %add3A_344, %mul3A_349 : vector<128x128xf32>
    %slice3A_351 = vector.extract_strided_slice %reshape3A_9 {offsets = [16, 0, 0], sizes = [1, 128, 128], strides = [1, 1, 1]} : vector<22x128x128xf32> to vector<1x128x128xf32>
    %squeeze3A_352 = vector.shape_cast %slice3A_351 : vector<1x128x128xf32> to vector<128x128xf32>
    %mul3A_353 = arith.constant 0.138675049 : f32
    %mul3A_354 = vector.broadcast %mul3A_353 : f32 to vector<128x128xf32>
    %mul3A_355 = arith.mulf %squeeze3A_352, %mul3A_354 : vector<128x128xf32>
    %add3A_356 = arith.addf %add3A_350, %mul3A_355 : vector<128x128xf32>
    %slice3A_357 = vector.extract_strided_slice %reshape3A_9 {offsets = [17, 0, 0], sizes = [1, 128, 128], strides = [1, 1, 1]} : vector<22x128x128xf32> to vector<1x128x128xf32>
    %squeeze3A_358 = vector.shape_cast %slice3A_357 : vector<1x128x128xf32> to vector<128x128xf32>
    %mul3A_359 = arith.constant 0.138675049 : f32
    %mul3A_360 = vector.broadcast %mul3A_359 : f32 to vector<128x128xf32>
    %mul3A_361 = arith.mulf %squeeze3A_358, %mul3A_360 : vector<128x128xf32>
    %add3A_362 = arith.addf %add3A_356, %mul3A_361 : vector<128x128xf32>
    %slice3A_363 = vector.extract_strided_slice %reshape3A_9 {offsets = [18, 0, 0], sizes = [1, 128, 128], strides = [1, 1, 1]} : vector<22x128x128xf32> to vector<1x128x128xf32>
    %squeeze3A_364 = vector.shape_cast %slice3A_363 : vector<1x128x128xf32> to vector<128x128xf32>
    %mul3A_365 = arith.constant 0.138675049 : f32
    %mul3A_366 = vector.broadcast %mul3A_365 : f32 to vector<128x128xf32>
    %mul3A_367 = arith.mulf %squeeze3A_364, %mul3A_366 : vector<128x128xf32>
    %add3A_368 = arith.addf %add3A_362, %mul3A_367 : vector<128x128xf32>
    %slice3A_369 = vector.extract_strided_slice %reshape3A_9 {offsets = [19, 0, 0], sizes = [1, 128, 128], strides = [1, 1, 1]} : vector<22x128x128xf32> to vector<1x128x128xf32>
    %squeeze3A_370 = vector.shape_cast %slice3A_369 : vector<1x128x128xf32> to vector<128x128xf32>
    %mul3A_371 = arith.constant 0.138675049 : f32
    %mul3A_372 = vector.broadcast %mul3A_371 : f32 to vector<128x128xf32>
    %mul3A_373 = arith.mulf %squeeze3A_370, %mul3A_372 : vector<128x128xf32>
    %add3A_374 = arith.addf %add3A_368, %mul3A_373 : vector<128x128xf32>
    %slice3A_375 = vector.extract_strided_slice %reshape3A_9 {offsets = [20, 0, 0], sizes = [1, 128, 128], strides = [1, 1, 1]} : vector<22x128x128xf32> to vector<1x128x128xf32>
    %squeeze3A_376 = vector.shape_cast %slice3A_375 : vector<1x128x128xf32> to vector<128x128xf32>
    %mul3A_377 = arith.constant 0.138675049 : f32
    %mul3A_378 = vector.broadcast %mul3A_377 : f32 to vector<128x128xf32>
    %mul3A_379 = arith.mulf %squeeze3A_376, %mul3A_378 : vector<128x128xf32>
    %add3A_380 = arith.addf %add3A_374, %mul3A_379 : vector<128x128xf32>
    %slice3A_381 = vector.extract_strided_slice %reshape3A_9 {offsets = [21, 0, 0], sizes = [1, 128, 128], strides = [1, 1, 1]} : vector<22x128x128xf32> to vector<1x128x128xf32>
    %squeeze3A_382 = vector.shape_cast %slice3A_381 : vector<1x128x128xf32> to vector<128x128xf32>
    %mul3A_383 = arith.constant 0.138675049 : f32
    %mul3A_384 = vector.broadcast %mul3A_383 : f32 to vector<128x128xf32>
    %mul3A_385 = arith.mulf %squeeze3A_382, %mul3A_384 : vector<128x128xf32>
    %add3A_386 = arith.addf %add3A_380, %mul3A_385 : vector<128x128xf32>
    %slice3A_387 = vector.extract_strided_slice %reshape3A_9 {offsets = [0, 0, 0], sizes = [1, 128, 128], strides = [1, 1, 1]} : vector<22x128x128xf32> to vector<1x128x128xf32>
    %squeeze3A_388 = vector.shape_cast %slice3A_387 : vector<1x128x128xf32> to vector<128x128xf32>
    %mul3A_389 = arith.constant 0.138675049 : f32
    %mul3A_390 = vector.broadcast %mul3A_389 : f32 to vector<128x128xf32>
    %mul3A_391 = arith.mulf %squeeze3A_388, %mul3A_390 : vector<128x128xf32>
    %add3A_392 = vector.broadcast %get3A_12 : vector<1x128xf32> to vector<128x128xf32>
    %add3A_393 = arith.addf %add3A_392, %mul3A_391 : vector<128x128xf32>
    %slice3A_394 = vector.extract_strided_slice %reshape3A_9 {offsets = [1, 0, 0], sizes = [1, 128, 128], strides = [1, 1, 1]} : vector<22x128x128xf32> to vector<1x128x128xf32>
    %squeeze3A_395 = vector.shape_cast %slice3A_394 : vector<1x128x128xf32> to vector<128x128xf32>
    %mul3A_396 = arith.constant 2.500000e-01 : f32
    %mul3A_397 = vector.broadcast %mul3A_396 : f32 to vector<128x128xf32>
    %mul3A_398 = arith.mulf %squeeze3A_395, %mul3A_397 : vector<128x128xf32>
    %add3A_399 = arith.addf %add3A_393, %mul3A_398 : vector<128x128xf32>
    %slice3A_400 = vector.extract_strided_slice %reshape3A_9 {offsets = [4, 0, 0], sizes = [1, 128, 128], strides = [1, 1, 1]} : vector<22x128x128xf32> to vector<1x128x128xf32>
    %squeeze3A_401 = vector.shape_cast %slice3A_400 : vector<1x128x128xf32> to vector<128x128xf32>
    %mul3A_402 = arith.constant 2.500000e-01 : f32
    %mul3A_403 = vector.broadcast %mul3A_402 : f32 to vector<128x128xf32>
    %mul3A_404 = arith.mulf %squeeze3A_401, %mul3A_403 : vector<128x128xf32>
    %add3A_405 = arith.addf %add3A_399, %mul3A_404 : vector<128x128xf32>
    %slice3A_406 = vector.extract_strided_slice %reshape3A_9 {offsets = [7, 0, 0], sizes = [1, 128, 128], strides = [1, 1, 1]} : vector<22x128x128xf32> to vector<1x128x128xf32>
    %squeeze3A_407 = vector.shape_cast %slice3A_406 : vector<1x128x128xf32> to vector<128x128xf32>
    %mul3A_408 = arith.constant 2.500000e-01 : f32
    %mul3A_409 = vector.broadcast %mul3A_408 : f32 to vector<128x128xf32>
    %mul3A_410 = arith.mulf %squeeze3A_407, %mul3A_409 : vector<128x128xf32>
    %add3A_411 = arith.addf %add3A_405, %mul3A_410 : vector<128x128xf32>
    %slice3A_412 = vector.extract_strided_slice %reshape3A_9 {offsets = [0, 0, 0], sizes = [1, 128, 128], strides = [1, 1, 1]} : vector<22x128x128xf32> to vector<1x128x128xf32>
    %squeeze3A_413 = vector.shape_cast %slice3A_412 : vector<1x128x128xf32> to vector<128x128xf32>
    %mul3A_414 = arith.constant 0.138675049 : f32
    %mul3A_415 = vector.broadcast %mul3A_414 : f32 to vector<128x128xf32>
    %mul3A_416 = arith.mulf %squeeze3A_413, %mul3A_415 : vector<128x128xf32>
    %add3A_417 = vector.broadcast %get3A_12 : vector<1x128xf32> to vector<128x128xf32>
    %add3A_418 = arith.addf %add3A_417, %mul3A_416 : vector<128x128xf32>
    %slice3A_419 = vector.extract_strided_slice %reshape3A_9 {offsets = [2, 0, 0], sizes = [1, 128, 128], strides = [1, 1, 1]} : vector<22x128x128xf32> to vector<1x128x128xf32>
    %squeeze3A_420 = vector.shape_cast %slice3A_419 : vector<1x128x128xf32> to vector<128x128xf32>
    %mul3A_421 = arith.constant 2.500000e-01 : f32
    %mul3A_422 = vector.broadcast %mul3A_421 : f32 to vector<128x128xf32>
    %mul3A_423 = arith.mulf %squeeze3A_420, %mul3A_422 : vector<128x128xf32>
    %add3A_424 = arith.addf %add3A_418, %mul3A_423 : vector<128x128xf32>
    %slice3A_425 = vector.extract_strided_slice %reshape3A_9 {offsets = [5, 0, 0], sizes = [1, 128, 128], strides = [1, 1, 1]} : vector<22x128x128xf32> to vector<1x128x128xf32>
    %squeeze3A_426 = vector.shape_cast %slice3A_425 : vector<1x128x128xf32> to vector<128x128xf32>
    %mul3A_427 = arith.constant 2.500000e-01 : f32
    %mul3A_428 = vector.broadcast %mul3A_427 : f32 to vector<128x128xf32>
    %mul3A_429 = arith.mulf %squeeze3A_426, %mul3A_428 : vector<128x128xf32>
    %add3A_430 = arith.addf %add3A_424, %mul3A_429 : vector<128x128xf32>
    %slice3A_431 = vector.extract_strided_slice %reshape3A_9 {offsets = [8, 0, 0], sizes = [1, 128, 128], strides = [1, 1, 1]} : vector<22x128x128xf32> to vector<1x128x128xf32>
    %squeeze3A_432 = vector.shape_cast %slice3A_431 : vector<1x128x128xf32> to vector<128x128xf32>
    %mul3A_433 = arith.constant 2.500000e-01 : f32
    %mul3A_434 = vector.broadcast %mul3A_433 : f32 to vector<128x128xf32>
    %mul3A_435 = arith.mulf %squeeze3A_432, %mul3A_434 : vector<128x128xf32>
    %add3A_436 = arith.addf %add3A_430, %mul3A_435 : vector<128x128xf32>
    %slice3A_437 = vector.extract_strided_slice %reshape3A_9 {offsets = [0, 0, 0], sizes = [1, 128, 128], strides = [1, 1, 1]} : vector<22x128x128xf32> to vector<1x128x128xf32>
    %squeeze3A_438 = vector.shape_cast %slice3A_437 : vector<1x128x128xf32> to vector<128x128xf32>
    %mul3A_439 = arith.constant 0.124034733 : f32
    %mul3A_440 = vector.broadcast %mul3A_439 : f32 to vector<128x128xf32>
    %mul3A_441 = arith.mulf %squeeze3A_438, %mul3A_440 : vector<128x128xf32>
    %add3A_442 = vector.broadcast %get3A_12 : vector<1x128xf32> to vector<128x128xf32>
    %add3A_443 = arith.addf %add3A_442, %mul3A_441 : vector<128x128xf32>
    %slice3A_444 = vector.extract_strided_slice %reshape3A_9 {offsets = [3, 0, 0], sizes = [1, 128, 128], strides = [1, 1, 1]} : vector<22x128x128xf32> to vector<1x128x128xf32>
    %squeeze3A_445 = vector.shape_cast %slice3A_444 : vector<1x128x128xf32> to vector<128x128xf32>
    %mul3A_446 = arith.constant 2.000000e-01 : f32
    %mul3A_447 = vector.broadcast %mul3A_446 : f32 to vector<128x128xf32>
    %mul3A_448 = arith.mulf %squeeze3A_445, %mul3A_447 : vector<128x128xf32>
    %add3A_449 = arith.addf %add3A_443, %mul3A_448 : vector<128x128xf32>
    %slice3A_450 = vector.extract_strided_slice %reshape3A_9 {offsets = [6, 0, 0], sizes = [1, 128, 128], strides = [1, 1, 1]} : vector<22x128x128xf32> to vector<1x128x128xf32>
    %squeeze3A_451 = vector.shape_cast %slice3A_450 : vector<1x128x128xf32> to vector<128x128xf32>
    %mul3A_452 = arith.constant 2.000000e-01 : f32
    %mul3A_453 = vector.broadcast %mul3A_452 : f32 to vector<128x128xf32>
    %mul3A_454 = arith.mulf %squeeze3A_451, %mul3A_453 : vector<128x128xf32>
    %add3A_455 = arith.addf %add3A_449, %mul3A_454 : vector<128x128xf32>
    %slice3A_456 = vector.extract_strided_slice %reshape3A_9 {offsets = [9, 0, 0], sizes = [1, 128, 128], strides = [1, 1, 1]} : vector<22x128x128xf32> to vector<1x128x128xf32>
    %squeeze3A_457 = vector.shape_cast %slice3A_456 : vector<1x128x128xf32> to vector<128x128xf32>
    %mul3A_458 = arith.constant 0.124034733 : f32
    %mul3A_459 = vector.broadcast %mul3A_458 : f32 to vector<128x128xf32>
    %mul3A_460 = arith.mulf %squeeze3A_457, %mul3A_459 : vector<128x128xf32>
    %add3A_461 = arith.addf %add3A_455, %mul3A_460 : vector<128x128xf32>
    %slice3A_462 = vector.extract_strided_slice %reshape3A_9 {offsets = [15, 0, 0], sizes = [1, 128, 128], strides = [1, 1, 1]} : vector<22x128x128xf32> to vector<1x128x128xf32>
    %squeeze3A_463 = vector.shape_cast %slice3A_462 : vector<1x128x128xf32> to vector<128x128xf32>
    %mul3A_464 = arith.constant 2.000000e-01 : f32
    %mul3A_465 = vector.broadcast %mul3A_464 : f32 to vector<128x128xf32>
    %mul3A_466 = arith.mulf %squeeze3A_463, %mul3A_465 : vector<128x128xf32>
    %add3A_467 = arith.addf %add3A_461, %mul3A_466 : vector<128x128xf32>
    %slice3A_468 = vector.extract_strided_slice %reshape3A_9 {offsets = [9, 0, 0], sizes = [1, 128, 128], strides = [1, 1, 1]} : vector<22x128x128xf32> to vector<1x128x128xf32>
    %squeeze3A_469 = vector.shape_cast %slice3A_468 : vector<1x128x128xf32> to vector<128x128xf32>
    %mul3A_470 = arith.constant 0.138675049 : f32
    %mul3A_471 = vector.broadcast %mul3A_470 : f32 to vector<128x128xf32>
    %mul3A_472 = arith.mulf %squeeze3A_469, %mul3A_471 : vector<128x128xf32>
    %add3A_473 = vector.broadcast %get3A_12 : vector<1x128xf32> to vector<128x128xf32>
    %add3A_474 = arith.addf %add3A_473, %mul3A_472 : vector<128x128xf32>
    %slice3A_475 = vector.extract_strided_slice %reshape3A_9 {offsets = [16, 0, 0], sizes = [1, 128, 128], strides = [1, 1, 1]} : vector<22x128x128xf32> to vector<1x128x128xf32>
    %squeeze3A_476 = vector.shape_cast %slice3A_475 : vector<1x128x128xf32> to vector<128x128xf32>
    %mul3A_477 = arith.constant 2.500000e-01 : f32
    %mul3A_478 = vector.broadcast %mul3A_477 : f32 to vector<128x128xf32>
    %mul3A_479 = arith.mulf %squeeze3A_476, %mul3A_478 : vector<128x128xf32>
    %add3A_480 = arith.addf %add3A_474, %mul3A_479 : vector<128x128xf32>
    %slice3A_481 = vector.extract_strided_slice %reshape3A_9 {offsets = [18, 0, 0], sizes = [1, 128, 128], strides = [1, 1, 1]} : vector<22x128x128xf32> to vector<1x128x128xf32>
    %squeeze3A_482 = vector.shape_cast %slice3A_481 : vector<1x128x128xf32> to vector<128x128xf32>
    %mul3A_483 = arith.constant 2.500000e-01 : f32
    %mul3A_484 = vector.broadcast %mul3A_483 : f32 to vector<128x128xf32>
    %mul3A_485 = arith.mulf %squeeze3A_482, %mul3A_484 : vector<128x128xf32>
    %add3A_486 = arith.addf %add3A_480, %mul3A_485 : vector<128x128xf32>
    %slice3A_487 = vector.extract_strided_slice %reshape3A_9 {offsets = [20, 0, 0], sizes = [1, 128, 128], strides = [1, 1, 1]} : vector<22x128x128xf32> to vector<1x128x128xf32>
    %squeeze3A_488 = vector.shape_cast %slice3A_487 : vector<1x128x128xf32> to vector<128x128xf32>
    %mul3A_489 = arith.constant 2.500000e-01 : f32
    %mul3A_490 = vector.broadcast %mul3A_489 : f32 to vector<128x128xf32>
    %mul3A_491 = arith.mulf %squeeze3A_488, %mul3A_490 : vector<128x128xf32>
    %add3A_492 = arith.addf %add3A_486, %mul3A_491 : vector<128x128xf32>
    %slice3A_493 = vector.extract_strided_slice %reshape3A_9 {offsets = [9, 0, 0], sizes = [1, 128, 128], strides = [1, 1, 1]} : vector<22x128x128xf32> to vector<1x128x128xf32>
    %squeeze3A_494 = vector.shape_cast %slice3A_493 : vector<1x128x128xf32> to vector<128x128xf32>
    %mul3A_495 = arith.constant 0.138675049 : f32
    %mul3A_496 = vector.broadcast %mul3A_495 : f32 to vector<128x128xf32>
    %mul3A_497 = arith.mulf %squeeze3A_494, %mul3A_496 : vector<128x128xf32>
    %add3A_498 = vector.broadcast %get3A_12 : vector<1x128xf32> to vector<128x128xf32>
    %add3A_499 = arith.addf %add3A_498, %mul3A_497 : vector<128x128xf32>
    %slice3A_500 = vector.extract_strided_slice %reshape3A_9 {offsets = [17, 0, 0], sizes = [1, 128, 128], strides = [1, 1, 1]} : vector<22x128x128xf32> to vector<1x128x128xf32>
    %squeeze3A_501 = vector.shape_cast %slice3A_500 : vector<1x128x128xf32> to vector<128x128xf32>
    %mul3A_502 = arith.constant 2.500000e-01 : f32
    %mul3A_503 = vector.broadcast %mul3A_502 : f32 to vector<128x128xf32>
    %mul3A_504 = arith.mulf %squeeze3A_501, %mul3A_503 : vector<128x128xf32>
    %add3A_505 = arith.addf %add3A_499, %mul3A_504 : vector<128x128xf32>
    %slice3A_506 = vector.extract_strided_slice %reshape3A_9 {offsets = [19, 0, 0], sizes = [1, 128, 128], strides = [1, 1, 1]} : vector<22x128x128xf32> to vector<1x128x128xf32>
    %squeeze3A_507 = vector.shape_cast %slice3A_506 : vector<1x128x128xf32> to vector<128x128xf32>
    %mul3A_508 = arith.constant 2.500000e-01 : f32
    %mul3A_509 = vector.broadcast %mul3A_508 : f32 to vector<128x128xf32>
    %mul3A_510 = arith.mulf %squeeze3A_507, %mul3A_509 : vector<128x128xf32>
    %add3A_511 = arith.addf %add3A_505, %mul3A_510 : vector<128x128xf32>
    %slice3A_512 = vector.extract_strided_slice %reshape3A_9 {offsets = [21, 0, 0], sizes = [1, 128, 128], strides = [1, 1, 1]} : vector<22x128x128xf32> to vector<1x128x128xf32>
    %squeeze3A_513 = vector.shape_cast %slice3A_512 : vector<1x128x128xf32> to vector<128x128xf32>
    %mul3A_514 = arith.constant 2.500000e-01 : f32
    %mul3A_515 = vector.broadcast %mul3A_514 : f32 to vector<128x128xf32>
    %mul3A_516 = arith.mulf %squeeze3A_513, %mul3A_515 : vector<128x128xf32>
    %add3A_517 = arith.addf %add3A_511, %mul3A_516 : vector<128x128xf32>
    %slice3A_518 = vector.extract_strided_slice %reshape3A_9 {offsets = [0, 0, 0], sizes = [1, 128, 128], strides = [1, 1, 1]} : vector<22x128x128xf32> to vector<1x128x128xf32>
    %squeeze3A_519 = vector.shape_cast %slice3A_518 : vector<1x128x128xf32> to vector<128x128xf32>
    %mul3A_520 = arith.constant 0.124034733 : f32
    %mul3A_521 = vector.broadcast %mul3A_520 : f32 to vector<128x128xf32>
    %mul3A_522 = arith.mulf %squeeze3A_519, %mul3A_521 : vector<128x128xf32>
    %add3A_523 = vector.broadcast %get3A_12 : vector<1x128xf32> to vector<128x128xf32>
    %add3A_524 = arith.addf %add3A_523, %mul3A_522 : vector<128x128xf32>
    %slice3A_525 = vector.extract_strided_slice %reshape3A_9 {offsets = [3, 0, 0], sizes = [1, 128, 128], strides = [1, 1, 1]} : vector<22x128x128xf32> to vector<1x128x128xf32>
    %squeeze3A_526 = vector.shape_cast %slice3A_525 : vector<1x128x128xf32> to vector<128x128xf32>
    %mul3A_527 = arith.constant 2.000000e-01 : f32
    %mul3A_528 = vector.broadcast %mul3A_527 : f32 to vector<128x128xf32>
    %mul3A_529 = arith.mulf %squeeze3A_526, %mul3A_528 : vector<128x128xf32>
    %add3A_530 = arith.addf %add3A_524, %mul3A_529 : vector<128x128xf32>
    %slice3A_531 = vector.extract_strided_slice %reshape3A_9 {offsets = [6, 0, 0], sizes = [1, 128, 128], strides = [1, 1, 1]} : vector<22x128x128xf32> to vector<1x128x128xf32>
    %squeeze3A_532 = vector.shape_cast %slice3A_531 : vector<1x128x128xf32> to vector<128x128xf32>
    %mul3A_533 = arith.constant 2.000000e-01 : f32
    %mul3A_534 = vector.broadcast %mul3A_533 : f32 to vector<128x128xf32>
    %mul3A_535 = arith.mulf %squeeze3A_532, %mul3A_534 : vector<128x128xf32>
    %add3A_536 = arith.addf %add3A_530, %mul3A_535 : vector<128x128xf32>
    %slice3A_537 = vector.extract_strided_slice %reshape3A_9 {offsets = [9, 0, 0], sizes = [1, 128, 128], strides = [1, 1, 1]} : vector<22x128x128xf32> to vector<1x128x128xf32>
    %squeeze3A_538 = vector.shape_cast %slice3A_537 : vector<1x128x128xf32> to vector<128x128xf32>
    %mul3A_539 = arith.constant 0.124034733 : f32
    %mul3A_540 = vector.broadcast %mul3A_539 : f32 to vector<128x128xf32>
    %mul3A_541 = arith.mulf %squeeze3A_538, %mul3A_540 : vector<128x128xf32>
    %add3A_542 = arith.addf %add3A_536, %mul3A_541 : vector<128x128xf32>
    %slice3A_543 = vector.extract_strided_slice %reshape3A_9 {offsets = [12, 0, 0], sizes = [1, 128, 128], strides = [1, 1, 1]} : vector<22x128x128xf32> to vector<1x128x128xf32>
    %squeeze3A_544 = vector.shape_cast %slice3A_543 : vector<1x128x128xf32> to vector<128x128xf32>
    %mul3A_545 = arith.constant 2.000000e-01 : f32
    %mul3A_546 = vector.broadcast %mul3A_545 : f32 to vector<128x128xf32>
    %mul3A_547 = arith.mulf %squeeze3A_544, %mul3A_546 : vector<128x128xf32>
    %add3A_548 = arith.addf %add3A_542, %mul3A_547 : vector<128x128xf32>
    %slice3A_549 = vector.extract_strided_slice %reshape3A_9 {offsets = [9, 0, 0], sizes = [1, 128, 128], strides = [1, 1, 1]} : vector<22x128x128xf32> to vector<1x128x128xf32>
    %squeeze3A_550 = vector.shape_cast %slice3A_549 : vector<1x128x128xf32> to vector<128x128xf32>
    %mul3A_551 = arith.constant 0.138675049 : f32
    %mul3A_552 = vector.broadcast %mul3A_551 : f32 to vector<128x128xf32>
    %mul3A_553 = arith.mulf %squeeze3A_550, %mul3A_552 : vector<128x128xf32>
    %add3A_554 = vector.broadcast %get3A_12 : vector<1x128xf32> to vector<128x128xf32>
    %add3A_555 = arith.addf %add3A_554, %mul3A_553 : vector<128x128xf32>
    %slice3A_556 = vector.extract_strided_slice %reshape3A_9 {offsets = [13, 0, 0], sizes = [1, 128, 128], strides = [1, 1, 1]} : vector<22x128x128xf32> to vector<1x128x128xf32>
    %squeeze3A_557 = vector.shape_cast %slice3A_556 : vector<1x128x128xf32> to vector<128x128xf32>
    %mul3A_558 = arith.constant 2.500000e-01 : f32
    %mul3A_559 = vector.broadcast %mul3A_558 : f32 to vector<128x128xf32>
    %mul3A_560 = arith.mulf %squeeze3A_557, %mul3A_559 : vector<128x128xf32>
    %add3A_561 = arith.addf %add3A_555, %mul3A_560 : vector<128x128xf32>
    %slice3A_562 = vector.extract_strided_slice %reshape3A_9 {offsets = [18, 0, 0], sizes = [1, 128, 128], strides = [1, 1, 1]} : vector<22x128x128xf32> to vector<1x128x128xf32>
    %squeeze3A_563 = vector.shape_cast %slice3A_562 : vector<1x128x128xf32> to vector<128x128xf32>
    %mul3A_564 = arith.constant 2.500000e-01 : f32
    %mul3A_565 = vector.broadcast %mul3A_564 : f32 to vector<128x128xf32>
    %mul3A_566 = arith.mulf %squeeze3A_563, %mul3A_565 : vector<128x128xf32>
    %add3A_567 = arith.addf %add3A_561, %mul3A_566 : vector<128x128xf32>
    %slice3A_568 = vector.extract_strided_slice %reshape3A_9 {offsets = [20, 0, 0], sizes = [1, 128, 128], strides = [1, 1, 1]} : vector<22x128x128xf32> to vector<1x128x128xf32>
    %squeeze3A_569 = vector.shape_cast %slice3A_568 : vector<1x128x128xf32> to vector<128x128xf32>
    %mul3A_570 = arith.constant 2.500000e-01 : f32
    %mul3A_571 = vector.broadcast %mul3A_570 : f32 to vector<128x128xf32>
    %mul3A_572 = arith.mulf %squeeze3A_569, %mul3A_571 : vector<128x128xf32>
    %add3A_573 = arith.addf %add3A_567, %mul3A_572 : vector<128x128xf32>
    %slice3A_574 = vector.extract_strided_slice %reshape3A_9 {offsets = [9, 0, 0], sizes = [1, 128, 128], strides = [1, 1, 1]} : vector<22x128x128xf32> to vector<1x128x128xf32>
    %squeeze3A_575 = vector.shape_cast %slice3A_574 : vector<1x128x128xf32> to vector<128x128xf32>
    %mul3A_576 = arith.constant 0.138675049 : f32
    %mul3A_577 = vector.broadcast %mul3A_576 : f32 to vector<128x128xf32>
    %mul3A_578 = arith.mulf %squeeze3A_575, %mul3A_577 : vector<128x128xf32>
    %add3A_579 = vector.broadcast %get3A_12 : vector<1x128xf32> to vector<128x128xf32>
    %add3A_580 = arith.addf %add3A_579, %mul3A_578 : vector<128x128xf32>
    %slice3A_581 = vector.extract_strided_slice %reshape3A_9 {offsets = [14, 0, 0], sizes = [1, 128, 128], strides = [1, 1, 1]} : vector<22x128x128xf32> to vector<1x128x128xf32>
    %squeeze3A_582 = vector.shape_cast %slice3A_581 : vector<1x128x128xf32> to vector<128x128xf32>
    %mul3A_583 = arith.constant 2.500000e-01 : f32
    %mul3A_584 = vector.broadcast %mul3A_583 : f32 to vector<128x128xf32>
    %mul3A_585 = arith.mulf %squeeze3A_582, %mul3A_584 : vector<128x128xf32>
    %add3A_586 = arith.addf %add3A_580, %mul3A_585 : vector<128x128xf32>
    %slice3A_587 = vector.extract_strided_slice %reshape3A_9 {offsets = [19, 0, 0], sizes = [1, 128, 128], strides = [1, 1, 1]} : vector<22x128x128xf32> to vector<1x128x128xf32>
    %squeeze3A_588 = vector.shape_cast %slice3A_587 : vector<1x128x128xf32> to vector<128x128xf32>
    %mul3A_589 = arith.constant 2.500000e-01 : f32
    %mul3A_590 = vector.broadcast %mul3A_589 : f32 to vector<128x128xf32>
    %mul3A_591 = arith.mulf %squeeze3A_588, %mul3A_590 : vector<128x128xf32>
    %add3A_592 = arith.addf %add3A_586, %mul3A_591 : vector<128x128xf32>
    %slice3A_593 = vector.extract_strided_slice %reshape3A_9 {offsets = [21, 0, 0], sizes = [1, 128, 128], strides = [1, 1, 1]} : vector<22x128x128xf32> to vector<1x128x128xf32>
    %squeeze3A_594 = vector.shape_cast %slice3A_593 : vector<1x128x128xf32> to vector<128x128xf32>
    %mul3A_595 = arith.constant 2.500000e-01 : f32
    %mul3A_596 = vector.broadcast %mul3A_595 : f32 to vector<128x128xf32>
    %mul3A_597 = arith.mulf %squeeze3A_594, %mul3A_596 : vector<128x128xf32>
    %add3A_598 = arith.addf %add3A_592, %mul3A_597 : vector<128x128xf32>
    %slice3A_599 = vector.extract_strided_slice %reshape3A_9 {offsets = [9, 0, 0], sizes = [1, 128, 128], strides = [1, 1, 1]} : vector<22x128x128xf32> to vector<1x128x128xf32>
    %squeeze3A_600 = vector.shape_cast %slice3A_599 : vector<1x128x128xf32> to vector<128x128xf32>
    %mul3A_601 = arith.constant 0.138675049 : f32
    %mul3A_602 = vector.broadcast %mul3A_601 : f32 to vector<128x128xf32>
    %mul3A_603 = arith.mulf %squeeze3A_600, %mul3A_602 : vector<128x128xf32>
    %add3A_604 = vector.broadcast %get3A_12 : vector<1x128xf32> to vector<128x128xf32>
    %add3A_605 = arith.addf %add3A_604, %mul3A_603 : vector<128x128xf32>
    %slice3A_606 = vector.extract_strided_slice %reshape3A_9 {offsets = [13, 0, 0], sizes = [1, 128, 128], strides = [1, 1, 1]} : vector<22x128x128xf32> to vector<1x128x128xf32>
    %squeeze3A_607 = vector.shape_cast %slice3A_606 : vector<1x128x128xf32> to vector<128x128xf32>
    %mul3A_608 = arith.constant 2.500000e-01 : f32
    %mul3A_609 = vector.broadcast %mul3A_608 : f32 to vector<128x128xf32>
    %mul3A_610 = arith.mulf %squeeze3A_607, %mul3A_609 : vector<128x128xf32>
    %add3A_611 = arith.addf %add3A_605, %mul3A_610 : vector<128x128xf32>
    %slice3A_612 = vector.extract_strided_slice %reshape3A_9 {offsets = [16, 0, 0], sizes = [1, 128, 128], strides = [1, 1, 1]} : vector<22x128x128xf32> to vector<1x128x128xf32>
    %squeeze3A_613 = vector.shape_cast %slice3A_612 : vector<1x128x128xf32> to vector<128x128xf32>
    %mul3A_614 = arith.constant 2.500000e-01 : f32
    %mul3A_615 = vector.broadcast %mul3A_614 : f32 to vector<128x128xf32>
    %mul3A_616 = arith.mulf %squeeze3A_613, %mul3A_615 : vector<128x128xf32>
    %add3A_617 = arith.addf %add3A_611, %mul3A_616 : vector<128x128xf32>
    %slice3A_618 = vector.extract_strided_slice %reshape3A_9 {offsets = [20, 0, 0], sizes = [1, 128, 128], strides = [1, 1, 1]} : vector<22x128x128xf32> to vector<1x128x128xf32>
    %squeeze3A_619 = vector.shape_cast %slice3A_618 : vector<1x128x128xf32> to vector<128x128xf32>
    %mul3A_620 = arith.constant 2.500000e-01 : f32
    %mul3A_621 = vector.broadcast %mul3A_620 : f32 to vector<128x128xf32>
    %mul3A_622 = arith.mulf %squeeze3A_619, %mul3A_621 : vector<128x128xf32>
    %add3A_623 = arith.addf %add3A_617, %mul3A_622 : vector<128x128xf32>
    %slice3A_624 = vector.extract_strided_slice %reshape3A_9 {offsets = [9, 0, 0], sizes = [1, 128, 128], strides = [1, 1, 1]} : vector<22x128x128xf32> to vector<1x128x128xf32>
    %squeeze3A_625 = vector.shape_cast %slice3A_624 : vector<1x128x128xf32> to vector<128x128xf32>
    %mul3A_626 = arith.constant 0.138675049 : f32
    %mul3A_627 = vector.broadcast %mul3A_626 : f32 to vector<128x128xf32>
    %mul3A_628 = arith.mulf %squeeze3A_625, %mul3A_627 : vector<128x128xf32>
    %add3A_629 = vector.broadcast %get3A_12 : vector<1x128xf32> to vector<128x128xf32>
    %add3A_630 = arith.addf %add3A_629, %mul3A_628 : vector<128x128xf32>
    %slice3A_631 = vector.extract_strided_slice %reshape3A_9 {offsets = [14, 0, 0], sizes = [1, 128, 128], strides = [1, 1, 1]} : vector<22x128x128xf32> to vector<1x128x128xf32>
    %squeeze3A_632 = vector.shape_cast %slice3A_631 : vector<1x128x128xf32> to vector<128x128xf32>
    %mul3A_633 = arith.constant 2.500000e-01 : f32
    %mul3A_634 = vector.broadcast %mul3A_633 : f32 to vector<128x128xf32>
    %mul3A_635 = arith.mulf %squeeze3A_632, %mul3A_634 : vector<128x128xf32>
    %add3A_636 = arith.addf %add3A_630, %mul3A_635 : vector<128x128xf32>
    %slice3A_637 = vector.extract_strided_slice %reshape3A_9 {offsets = [17, 0, 0], sizes = [1, 128, 128], strides = [1, 1, 1]} : vector<22x128x128xf32> to vector<1x128x128xf32>
    %squeeze3A_638 = vector.shape_cast %slice3A_637 : vector<1x128x128xf32> to vector<128x128xf32>
    %mul3A_639 = arith.constant 2.500000e-01 : f32
    %mul3A_640 = vector.broadcast %mul3A_639 : f32 to vector<128x128xf32>
    %mul3A_641 = arith.mulf %squeeze3A_638, %mul3A_640 : vector<128x128xf32>
    %add3A_642 = arith.addf %add3A_636, %mul3A_641 : vector<128x128xf32>
    %slice3A_643 = vector.extract_strided_slice %reshape3A_9 {offsets = [21, 0, 0], sizes = [1, 128, 128], strides = [1, 1, 1]} : vector<22x128x128xf32> to vector<1x128x128xf32>
    %squeeze3A_644 = vector.shape_cast %slice3A_643 : vector<1x128x128xf32> to vector<128x128xf32>
    %mul3A_645 = arith.constant 2.500000e-01 : f32
    %mul3A_646 = vector.broadcast %mul3A_645 : f32 to vector<128x128xf32>
    %mul3A_647 = arith.mulf %squeeze3A_644, %mul3A_646 : vector<128x128xf32>
    %add3A_648 = arith.addf %add3A_642, %mul3A_647 : vector<128x128xf32>
    %slice3A_649 = vector.extract_strided_slice %reshape3A_9 {offsets = [9, 0, 0], sizes = [1, 128, 128], strides = [1, 1, 1]} : vector<22x128x128xf32> to vector<1x128x128xf32>
    %squeeze3A_650 = vector.shape_cast %slice3A_649 : vector<1x128x128xf32> to vector<128x128xf32>
    %mul3A_651 = arith.constant 0.138675049 : f32
    %mul3A_652 = vector.broadcast %mul3A_651 : f32 to vector<128x128xf32>
    %mul3A_653 = arith.mulf %squeeze3A_650, %mul3A_652 : vector<128x128xf32>
    %add3A_654 = vector.broadcast %get3A_12 : vector<1x128xf32> to vector<128x128xf32>
    %add3A_655 = arith.addf %add3A_654, %mul3A_653 : vector<128x128xf32>
    %slice3A_656 = vector.extract_strided_slice %reshape3A_9 {offsets = [13, 0, 0], sizes = [1, 128, 128], strides = [1, 1, 1]} : vector<22x128x128xf32> to vector<1x128x128xf32>
    %squeeze3A_657 = vector.shape_cast %slice3A_656 : vector<1x128x128xf32> to vector<128x128xf32>
    %mul3A_658 = arith.constant 2.500000e-01 : f32
    %mul3A_659 = vector.broadcast %mul3A_658 : f32 to vector<128x128xf32>
    %mul3A_660 = arith.mulf %squeeze3A_657, %mul3A_659 : vector<128x128xf32>
    %add3A_661 = arith.addf %add3A_655, %mul3A_660 : vector<128x128xf32>
    %slice3A_662 = vector.extract_strided_slice %reshape3A_9 {offsets = [16, 0, 0], sizes = [1, 128, 128], strides = [1, 1, 1]} : vector<22x128x128xf32> to vector<1x128x128xf32>
    %squeeze3A_663 = vector.shape_cast %slice3A_662 : vector<1x128x128xf32> to vector<128x128xf32>
    %mul3A_664 = arith.constant 2.500000e-01 : f32
    %mul3A_665 = vector.broadcast %mul3A_664 : f32 to vector<128x128xf32>
    %mul3A_666 = arith.mulf %squeeze3A_663, %mul3A_665 : vector<128x128xf32>
    %add3A_667 = arith.addf %add3A_661, %mul3A_666 : vector<128x128xf32>
    %slice3A_668 = vector.extract_strided_slice %reshape3A_9 {offsets = [18, 0, 0], sizes = [1, 128, 128], strides = [1, 1, 1]} : vector<22x128x128xf32> to vector<1x128x128xf32>
    %squeeze3A_669 = vector.shape_cast %slice3A_668 : vector<1x128x128xf32> to vector<128x128xf32>
    %mul3A_670 = arith.constant 2.500000e-01 : f32
    %mul3A_671 = vector.broadcast %mul3A_670 : f32 to vector<128x128xf32>
    %mul3A_672 = arith.mulf %squeeze3A_669, %mul3A_671 : vector<128x128xf32>
    %add3A_673 = arith.addf %add3A_667, %mul3A_672 : vector<128x128xf32>
    %slice3A_674 = vector.extract_strided_slice %reshape3A_9 {offsets = [9, 0, 0], sizes = [1, 128, 128], strides = [1, 1, 1]} : vector<22x128x128xf32> to vector<1x128x128xf32>
    %squeeze3A_675 = vector.shape_cast %slice3A_674 : vector<1x128x128xf32> to vector<128x128xf32>
    %mul3A_676 = arith.constant 0.138675049 : f32
    %mul3A_677 = vector.broadcast %mul3A_676 : f32 to vector<128x128xf32>
    %mul3A_678 = arith.mulf %squeeze3A_675, %mul3A_677 : vector<128x128xf32>
    %add3A_679 = vector.broadcast %get3A_12 : vector<1x128xf32> to vector<128x128xf32>
    %add3A_680 = arith.addf %add3A_679, %mul3A_678 : vector<128x128xf32>
    %slice3A_681 = vector.extract_strided_slice %reshape3A_9 {offsets = [14, 0, 0], sizes = [1, 128, 128], strides = [1, 1, 1]} : vector<22x128x128xf32> to vector<1x128x128xf32>
    %squeeze3A_682 = vector.shape_cast %slice3A_681 : vector<1x128x128xf32> to vector<128x128xf32>
    %mul3A_683 = arith.constant 2.500000e-01 : f32
    %mul3A_684 = vector.broadcast %mul3A_683 : f32 to vector<128x128xf32>
    %mul3A_685 = arith.mulf %squeeze3A_682, %mul3A_684 : vector<128x128xf32>
    %add3A_686 = arith.addf %add3A_680, %mul3A_685 : vector<128x128xf32>
    %slice3A_687 = vector.extract_strided_slice %reshape3A_9 {offsets = [17, 0, 0], sizes = [1, 128, 128], strides = [1, 1, 1]} : vector<22x128x128xf32> to vector<1x128x128xf32>
    %squeeze3A_688 = vector.shape_cast %slice3A_687 : vector<1x128x128xf32> to vector<128x128xf32>
    %mul3A_689 = arith.constant 2.500000e-01 : f32
    %mul3A_690 = vector.broadcast %mul3A_689 : f32 to vector<128x128xf32>
    %mul3A_691 = arith.mulf %squeeze3A_688, %mul3A_690 : vector<128x128xf32>
    %add3A_692 = arith.addf %add3A_686, %mul3A_691 : vector<128x128xf32>
    %slice3A_693 = vector.extract_strided_slice %reshape3A_9 {offsets = [19, 0, 0], sizes = [1, 128, 128], strides = [1, 1, 1]} : vector<22x128x128xf32> to vector<1x128x128xf32>
    %squeeze3A_694 = vector.shape_cast %slice3A_693 : vector<1x128x128xf32> to vector<128x128xf32>
    %mul3A_695 = arith.constant 2.500000e-01 : f32
    %mul3A_696 = vector.broadcast %mul3A_695 : f32 to vector<128x128xf32>
    %mul3A_697 = arith.mulf %squeeze3A_694, %mul3A_696 : vector<128x128xf32>
    %add3A_698 = arith.addf %add3A_692, %mul3A_697 : vector<128x128xf32>
    %stack3A = vector.shape_cast %add3A_95 : vector<128x128xf32> to vector<1x128x128xf32>
    %stack3A_699 = vector.shape_cast %add3A_120 : vector<128x128xf32> to vector<1x128x128xf32>
    %stack3A_700 = vector.shape_cast %add3A_145 : vector<128x128xf32> to vector<1x128x128xf32>
    %stack3A_701 = vector.shape_cast %add3A_176 : vector<128x128xf32> to vector<1x128x128xf32>
    %stack3A_702 = vector.shape_cast %add3A_201 : vector<128x128xf32> to vector<1x128x128xf32>
    %stack3A_703 = vector.shape_cast %add3A_226 : vector<128x128xf32> to vector<1x128x128xf32>
    %stack3A_704 = vector.shape_cast %add3A_257 : vector<128x128xf32> to vector<1x128x128xf32>
    %stack3A_705 = vector.shape_cast %add3A_282 : vector<128x128xf32> to vector<1x128x128xf32>
    %stack3A_706 = vector.shape_cast %add3A_307 : vector<128x128xf32> to vector<1x128x128xf32>
    %stack3A_707 = vector.shape_cast %add3A_386 : vector<128x128xf32> to vector<1x128x128xf32>
    %stack3A_708 = vector.shape_cast %add3A_411 : vector<128x128xf32> to vector<1x128x128xf32>
    %stack3A_709 = vector.shape_cast %add3A_436 : vector<128x128xf32> to vector<1x128x128xf32>
    %stack3A_710 = vector.shape_cast %add3A_467 : vector<128x128xf32> to vector<1x128x128xf32>
    %stack3A_711 = vector.shape_cast %add3A_492 : vector<128x128xf32> to vector<1x128x128xf32>
    %stack3A_712 = vector.shape_cast %add3A_517 : vector<128x128xf32> to vector<1x128x128xf32>
    %stack3A_713 = vector.shape_cast %add3A_548 : vector<128x128xf32> to vector<1x128x128xf32>
    %stack3A_714 = vector.shape_cast %add3A_573 : vector<128x128xf32> to vector<1x128x128xf32>
    %stack3A_715 = vector.shape_cast %add3A_598 : vector<128x128xf32> to vector<1x128x128xf32>
    %stack3A_716 = vector.shape_cast %add3A_623 : vector<128x128xf32> to vector<1x128x128xf32>
    %stack3A_717 = vector.shape_cast %add3A_648 : vector<128x128xf32> to vector<1x128x128xf32>
    %stack3A_718 = vector.shape_cast %add3A_673 : vector<128x128xf32> to vector<1x128x128xf32>
    %stack3A_719 = vector.shape_cast %add3A_698 : vector<128x128xf32> to vector<1x128x128xf32>
    %stack3A_720 = tpu.concatenate %stack3A, %stack3A_699, %stack3A_700, %stack3A_701, %stack3A_702, %stack3A_703, %stack3A_704, %stack3A_705, %stack3A_706, %stack3A_707, %stack3A_708, %stack3A_709, %stack3A_710, %stack3A_711, %stack3A_712, %stack3A_713, %stack3A_714, %stack3A_715, %stack3A_716, %stack3A_717, %stack3A_718, %stack3A_719 in 0 : vector<1x128x128xf32>, vector<1x128x128xf32>, vector<1x128x128xf32>, vector<1x128x128xf32>, vector<1x128x128xf32>, vector<1x128x128xf32>, vector<1x128x128xf32>, vector<1x128x128xf32>, vector<1x128x128xf32>, vector<1x128x128xf32>, vector<1x128x128xf32>, vector<1x128x128xf32>, vector<1x128x128xf32>, vector<1x128x128xf32>, vector<1x128x128xf32>, vector<1x128x128xf32>, vector<1x128x128xf32>, vector<1x128x128xf32>, vector<1x128x128xf32>, vector<1x128x128xf32>, vector<1x128x128xf32>, vector<1x128x128xf32> -> vector<22x128x128xf32>
    %add3A_721 = vector.broadcast %broadcast_in_dim3A : vector<1x128x128xf32> to vector<22x128x128xf32>
    %add3A_722 = arith.addf %add3A_721, %stack3A_720 : vector<22x128x128xf32>
    %logistic3A = arith.negf %add3A_722 : vector<22x128x128xf32>
    %logistic3A_723 = math.exp %logistic3A : vector<22x128x128xf32>
    %logistic3A_724 = arith.constant 1.000000e+00 : f32
    %logistic3A_725 = vector.broadcast %logistic3A_724 : f32 to vector<22x128x128xf32>
    %logistic3A_726 = arith.addf %logistic3A_725, %logistic3A_723 : vector<22x128x128xf32>
    %logistic3A_727 = arith.divf %logistic3A_725, %logistic3A_726 : vector<22x128x128xf32>
    %add3A_728 = vector.broadcast %broadcast_in_dim3A_17 : vector<1x128x128xf32> to vector<22x128x128xf32>
    %add3A_729 = arith.addf %add3A_728, %stack3A_720 : vector<22x128x128xf32>
    %logistic3A_730 = arith.negf %add3A_729 : vector<22x128x128xf32>
    %logistic3A_731 = math.exp %logistic3A_730 : vector<22x128x128xf32>
    %logistic3A_732 = arith.constant 1.000000e+00 : f32
    %logistic3A_733 = vector.broadcast %logistic3A_732 : f32 to vector<22x128x128xf32>
    %logistic3A_734 = arith.addf %logistic3A_733, %logistic3A_731 : vector<22x128x128xf32>
    %logistic3A_735 = arith.divf %logistic3A_733, %logistic3A_734 : vector<22x128x128xf32>
    %mul3A_736 = arith.mulf %logistic3A_727, %stack3A_720 : vector<22x128x128xf32>
    %add3A_737 = vector.broadcast %broadcast_in_dim3A_19 : vector<1x128x128xf32> to vector<22x128x128xf32>
    %add3A_738 = arith.addf %add3A_737, %mul3A_736 : vector<22x128x128xf32>
    %tanh3A = math.tanh %add3A_738 : vector<22x128x128xf32>
    %sub3A = arith.subf %tanh3A, %get3A_4 : vector<22x128x128xf32>
    %mul3A_739 = arith.mulf %logistic3A_735, %sub3A : vector<22x128x128xf32>
    %add3A_740 = arith.addf %get3A_4, %mul3A_739 : vector<22x128x128xf32>
    %swap3A = arith.constant 0 : index
    %swap3A_741 = arith.constant 0 : index
    %swap3A_742 = arith.constant 0 : index
    %swap3A_743 = vector.load %arg8[%swap3A, %swap3A_741, %swap3A_742] : memref<22x128x128xf32, #tpu.memory_space<vmem>>, vector<22x128x128xf32>
    tpu.vector_store %arg8[%swap3A, %swap3A_741, %swap3A_742], %add3A_740 {strides = array<i32>} : memref<22x128x128xf32, #tpu.memory_space<vmem>>, vector<22x128x128xf32>,
    %transpose3A = tpu.transpose %add3A_740, [1, 0, 2] : vector<22x128x128xf32> -> vector<128x22x128xf32>
    %slice3A_744 = vector.extract_strided_slice %transpose3A {offsets = [0, 0, 0], sizes = [128, 22, 64], strides = [1, 1, 1]} : vector<128x22x128xf32> to vector<128x22x64xf32>
    %swap3A_745 = arith.constant 0 : index
    %swap3A_746 = arith.constant 0 : index
    %swap3A_747 = arith.constant 0 : index
    %swap3A_748 = arith.constant 0 : index
    %swap3A_749 = vector.load %arg7[%swap3A_745, %swap3A_746, %swap3A_747, %swap3A_748] : memref<256x1x22x64xf32, #tpu.memory_space<vmem>>, vector<128x1x22x64xf32>
    %swap3A_750 = vector.shape_cast %swap3A_749 : vector<128x1x22x64xf32> to vector<128x22x64xf32>
    %swap3A_751 = vector.shape_cast %slice3A_744 : vector<128x22x64xf32> to vector<128x1x22x64xf32>
    tpu.vector_store %arg7[%swap3A_745, %swap3A_746, %swap3A_747, %swap3A_748], %swap3A_751 {strides = array<i32>} : memref<256x1x22x64xf32, #tpu.memory_space<vmem>>, vector<128x1x22x64xf32>,
    %slice3A_752 = vector.extract_strided_slice %transpose3A {offsets = [0, 0, 64], sizes = [128, 22, 64], strides = [1, 1, 1]} : vector<128x22x128xf32> to vector<128x22x64xf32>
    %swap3A_753 = arith.constant 128 : index
    %swap3A_754 = arith.constant 0 : index
    %swap3A_755 = arith.constant 0 : index
    %swap3A_756 = arith.constant 0 : index
    %swap3A_757 = vector.load %arg7[%swap3A_753, %swap3A_754, %swap3A_755, %swap3A_756] : memref<256x1x22x64xf32, #tpu.memory_space<vmem>>, vector<128x1x22x64xf32>
    %swap3A_758 = vector.shape_cast %swap3A_757 : vector<128x1x22x64xf32> to vector<128x22x64xf32>
    %swap3A_759 = vector.shape_cast %slice3A_752 : vector<128x22x64xf32> to vector<128x1x22x64xf32>
    tpu.vector_store %arg7[%swap3A_753, %swap3A_754, %swap3A_755, %swap3A_756], %swap3A_759 {strides = array<i32>} : memref<256x1x22x64xf32, #tpu.memory_space<vmem>>, vector<128x1x22x64xf32>,
    return
  }
  func.func @transform_0(%arg0: i32, %arg1: i32) -> (i32, i32) {
    %c0_i32 = arith.constant 0 : i32
    %c0_i32_0 = arith.constant 0 : i32
    return %arg0, %c0_i32 : i32, i32
  }
  func.func @transform_1(%arg0: i32, %arg1: i32) -> (i32, i32) {
    %c0_i32 = arith.constant 0 : i32
    %c0_i32_0 = arith.constant 0 : i32
    %c0_i32_1 = arith.constant 0 : i32
    return %c0_i32, %c0_i32_0 : i32, i32
  }
  func.func @transform_2(%arg0: i32, %arg1: i32) -> (i32, i32) {
    %c0_i32 = arith.constant 0 : i32
    %c0_i32_0 = arith.constant 0 : i32
    %c0_i32_1 = arith.constant 0 : i32
    return %c0_i32, %c0_i32_0 : i32, i32
  }
  func.func @transform_3(%arg0: i32, %arg1: i32) -> (i32, i32) {
    %c0_i32 = arith.constant 0 : i32
    %c0_i32_0 = arith.constant 0 : i32
    %c0_i32_1 = arith.constant 0 : i32
    return %c0_i32, %c0_i32_0 : i32, i32
  }
  func.func @transform_4(%arg0: i32, %arg1: i32) -> (i32, i32) {
    %c0_i32 = arith.constant 0 : i32
    %c0_i32_0 = arith.constant 0 : i32
    %c0_i32_1 = arith.constant 0 : i32
    return %c0_i32, %c0_i32_0 : i32, i32
  }
  func.func @transform_5(%arg0: i32, %arg1: i32) -> (i32, i32, i32, i32) {
    %c0_i32 = arith.constant 0 : i32
    %c0_i32_0 = arith.constant 0 : i32
    %c0_i32_1 = arith.constant 0 : i32
    return %arg0, %arg1, %c0_i32, %c0_i32_0 : i32, i32, i32, i32
  }
}

</mosaic_0001>

<sc_bundles>
// kernel: sparse-core-data-format-call.cloned.1.call-start
scs
called_computation_lowered:
.L_overlay_start_0:
0x0: {  	s2 =	sld [smem:$0x3FD9]  }
0x1: {  	s3 =	sld [smem:$0x3FFE];
	_ =	sdelay $0x1  }
0x2: {  	s1 =	srdreg.scid  }
0x3: {  	s0 =	sand.u32 $0x1, s1  }
0x4: {  	s18 =	sshll.u32 s0, $0xA;
	s2 =	sadd.s32 s3, s2  }
0x5: {  	s2 =	sadd.s32 s2, s18  }
0x6: {  	[smem:$0x3FBF] =	sst s2  }
0x7: {  	_ = 	snop  }
0x8: {  	s2 =	sld [smem:$0x3FD0];
	(tm) =	ssettm $0x1  }
0x9: {  	s19 =	sld [smem:$0x3FFB];
	_ =	sdelay $0x3  }
0xa: {  	_ =	strace s19  }
0xb: {  	s3 =	sld [smem:$0x3FFC];
	_ =	sdelay $0x3  }
0xc: {  	_ =	strace s3  }
0xd: {  	s3 =	sld [smem:$0x3FFD];
	_ =	sdelay $0x3  }
0xe: {  	_ =	strace s3  }
0xf: {  	_ =	strace $0x8FFFFFFF  }
0x10: {  	s20 =	sld [smem:$0x3FDB];
	_ =	sdelay $0x1  }
0x11: {  	s4 =	simm.s32 $_scs_section_size  }
0x12: {  	s5 =	simm.s32 $_size__tile_overlayer_lowered;
	s6 =	simm.s32 $_tile_overlayer_lowered  }
0x13: {  	s23 =	simm.s32 $0x1BFF;
	s22 =	sshll.u32 s6, $0x1;
	s3 =	sadd.s32 s4, s20  }
0x14: {  	s7 =	simm.s32 $0x0;
	s21 =	sshll.u32 s5, $0x1;
	s5 =	sadd.s32 s22, s3  }
0x15: {  	[timem:s7], [sflag:s23] =	dma.local [hbm:s5], s21  }
0x16: {  	_ =	swait.ge [sflag:s23], s21  }
0x17: {  	s4 =	ssub.s32 $0x0, s21;
	[sflag:s23] =	ssyncset.done $0x0  }
0x18: {  	[sflag:s23] =	ssyncadd.s32 s4;
	_ =	sdelay $0x1  }
0x19: {  	s24 =	simm.s32 $0x1B8B  }
0x1a: {  	_ =	swait.ge [sflag:s24], $0x1  }
0x1b: {  	[sflag:s24] =	ssyncset.done $0x0  }
0x1c: {  	s26 =	simm.s32 $0x1B8E;
	s25 =	sld [smem:$0x3FFE];
	[sflag:s24] =	ssyncadd.s32 $0xFFFFFFFF  }
0x1d: {  	s27 =	simm.s32 $execute0_lowered;
	[smem:$0x3FD2] =	sst s26  }
0x1e: {  	s5 =	sshll.u32 s27, $0x1;
	_ =	strace $0x80000046;
	[dreg:$0x1] =	wrdreg $0xFFFFFFFF  }
0x1f: {  	s28 =	simm.s32 $_size_execute0_lowered;
	s3 =	sadd.s32 s3, s5;
	[dreg:$0x0] =	wrdreg $0x0  }
0x20: {  	s5 =	sshll.u32 s28, $0x1;
	[dreg:$0x2] =	wrdreg s3  }
0x21: {  	[dreg:$0x3] =	wrdreg s5  }
0x22: {  	[dreg:$0x4] =	wrdreg $0xC0  }
0x23: {  	_ =	task [dreg:s7], $0x5FFFF  }
0x24: {  	[dreg:$0x1] =	wrdreg $0xFFFFFFFF  }
0x25: {  	[dreg:$0x0] =	wrdreg $0x60  }
0x26: {  	[dreg:$0x2] =	wrdreg s25  }
0x27: {  	[dreg:$0x3] =	wrdreg s2  }
0x28: {  	[dreg:$0x4] =	wrdreg $0x9  }
0x29: {  	_ =	task.clear_ibuf [dreg:s7], $0x5FFFF;
	_ =	strace $0x90000046  }
0x2a: {  	s29 =	simm.s32 $0x9;
	_ =	strace $0x80000048  }
0x2b: {  	_ =	swait.ge [sflag:s29], $0x1  }
0x2c: {  	[sflag:s29] =	ssyncadd.s32 $0xFFFFFFFF  }
0x2d: {  	_ =	strace $0x90000048  }
0x2e: {  	_ =	sfence  }
0x2f: {  	s30 =	sld [smem:$0x0];
	_ =	sdelay $0x2  }
0x30: {  	s31 =	sshll.u32 s1, $0xD;
	s1 =	sshrl.u32 s1, $0x2  }
0x31: {  	s3 =	sand.u32 $0x4000, s31;
	s1 =	sadd.s32 s1, s30  }
0x32: {  	s0 =	sor.u32 s3, s0;
	s1 =	sshll.u32 s1, $0x11  }
0x33: {  	s0 =	sor.u32 s1, s0  }
0x34: {  	s0 =	sadd.s32 $0x8F2B, s0  }
0x35: {  	[sflag:s0] =	ssyncadd.remote.s32 $0x1  }
0x36: {  	_ =	sfence.sel $0xFFFF  }
0x37: {  	[dreg:$0x0] =	wrdreg $0xFFFFFFFF;
	(pc) =	sbr.abs _section_cstart, $3  }
0x38: {  	[dreg:$0x1] =	wrdreg $0xFFFFFFFF  }
0x39: {  	_ =	task.clear_ibuf [dreg:s7], $0x2FFFF;
	_ =	strace $0x9FFFFFFF  }
0x3a: {  	(tm) =	ssettm $0x7FFFFFFF  }
0x3b: {  	_ =	shalt  }
tec
execute0_lowered:
.L_overlay_start_1:
0x0: {  	(tag) =	ssettag $0x1  }
0x1: {  	s7 =	rddreg [dreg:$0x0]  }
0x2: {  	s0 =	srdreg.scid;
	s2 =	rddreg [dreg:$0x1]  }
0x3: {  	s31 =	simm.s32 $0x2;
	s14 =	simm.s32 $0x0;
	s1 =	sshll.u32 s0, $0x4  }
0x4: {  	s13 =	simm.s32 $0x0;
	s0 =	stileid.u32;
	s1 =	sand.u32 $0x10, s1  }
0x5: {  	s12 =	simm.s32 $0x0;
	s30 =	sshll.u32 s0, $0x7;
	s8 =	sor.u32 s0, s1  }
0x6: {  	s3 =	sand.u32 $0x180, s30;
	s1 =	rddreg [dreg:$0x2];
	s4 =	sshll.u32 s8, $0x5  }
0x7: {  	_ =	strace $0x80000047;
	s5 =	ssub.s32 $0x6E00, s3;
	s4 =	sand.u32 $0x380, s4  }
0x8: {  	s6 =	sand.u32 $0x180, s5;
	s11 =	sshrl.u32 s5, $0x9;
	s9 =	ssub.s32 $0x400, s4  }
0x9: {  	p0 =	sne.s32 s6, $0x0;
	s6 =	simm.s32 $0x1;
	s10 =	sand.u32 $0x380, s9  }
0xa: {  	s6 =	simm.s32 @!p0 $0x0;
	p0 =	sne.s32 s10, $0x0;
	s10 =	simm.s32 $0x1  }
.Ltmp0:
0xb: {  	s9 =	sshrl.u32 s9, $0xA;
	s10 =	simm.s32 @!p0 $0x0;
	(pc) =	sbr.rel .LBB1_1-.Ltmp0, $4  }
0xc: {  	s5 =	simm.s32 $0x1;
	s6 =	sadd.s32 s6, s11;
	s9 =	sadd.s32 s10, s9  }
0xd: {  	s7 =	sadd.s32 $0x780600, s7;
	[sflag:s5] =	ssyncpa.u1 $0x0;
	s6 =	smul.u32 s6, s9  }
0xe: {  	s8 =	sshll.u32 s8, $0x8;
	[sflag:s31] =	ssyncpa.u1 $0x0;
	s11 =	smov.u32 s3  }
0xf: {  	p0 =	por $0x0, $0x0;
	s10 =	simm.s32 $0x37000;
	s9 =	sadd.s32 $0x1, s6  }
.LBB1_4:
0x10: {  	s14 =	sshrl.u32 s14, $0x3  }
0x11: {  	v5 =	vld [tilespmem:s18+$0xFFFFFFD0];
	[tilespmem:s17+$0x2040 ss:$0x81] =	vst.msk $0xffff, v4;
	s20 =	sshll.u32 s13, $0x3;
	s14 =	smul.u32 $0x37000, s14  }
0x12: {  	v58 =	vld [tilespmem:s18+$0xFFFFFFE0];
	[tilespmem:s17+$0x2850 ss:$0x81] =	vst.msk $0xffff, v3;
	s20 =	sand.u32 $0xFFFFFC00, s20  }
0x13: {  	s19 =	sshra.s32 s19, $0x2;
	v59 =	vld [tilespmem:s18+$0xFFFFFFF0];
	[tilespmem:s17+$0x3060 ss:$0x81] =	vst.msk $0xffff, v2;
	s14 =	sadd.s32 s20, s14  }
0x14: {  	v60 =	vld [tilespmem:s18+$0x0];
	[tilespmem:s17+$0x0 ss:$0x81] =	vst.msk $0xffff, v0;
	s16 =	sadd.s32 s19, s16;
	s27 =	sshrl.u32 s14, $0x9  }
0x15: {  	v61 =	vld [tilespmem:s18+$0x10];
	[tilespmem:s16+$0x3870 ss:$0x81] =	vst.msk $0xffff, v1;
	s17 =	smulhi.u32 $0x4A7904B, s27  }
0x16: {  	v62 =	vld [tilespmem:s18+$0x20];
	[tilespmem:s16+$0x810 ss:$0x81] =	vst.msk $0xffff, v5  }
0x17: {  	v63 =	vld [tilespmem:s18+$0xFFFFFFC0];
	s28 =	sand.u32 $0x7F, s13;
	[tilespmem:s16+$0x1020 ss:$0x81] =	vst.msk $0xffff, v58;
	s29 =	smul.u32 $0x6E00, s17  }
0x18: {  	s13 =	sor.u32 s28, s14;
	[tilespmem:s16+$0x1830 ss:$0x81] =	vst.msk $0xffff, v59  }
0x19: {  	[tilespmem:s16+$0x2040 ss:$0x81] =	vst.msk $0xffff, v60;
	s30 =	sand.u32 $0x3FF, s17;
	s13 =	ssub.s32 s13, s29  }
0x1a: {  	[tilespmem:s16+$0x2850 ss:$0x81] =	vst.msk $0xffff, v61;
	s14 =	smul.u32 $0xDC0, s30;
	s31 =	sshrl.u32 s13, $0x3;
	s13 =	sand.u32 $0x7, s13  }
0x1b: {  	[tilespmem:s16+$0x3060 ss:$0x81] =	vst.msk $0xffff, v62;
	s17 =	sadd.s32 s2, s31;
	s13 =	sshll.u32 s13, $0x12  }
0x1c: {  	[tilespmem:s16+$0x0 ss:$0x81] =	vst.msk $0xffff, v63;
	s14 =	sadd.s32 s14, s17;
	s13 =	sor.u32 $0x400, s13  }
0x1d: {  	[hbm4b:s14+s13] =	stream.strided.scatter [tilespmem:s15], [sflag:$0x2], $0x4000, s10, s13, $0x20;
	[tilespmem:$0x10100] =	vst v63  }
.LBB1_5:
0x1e: {  	s15 =	sadd.s32 $0x200, s11  }
0x1f: {  	p2 =	sgt.s32 s15, $0x6DFF  }
0x20: {  	s15 =	smov.u32 @p2 s3;
	p2 =	sne.s32 s12, s9  }
.Ltmp1:
0x21: {  	p1 =	slt.u32 s12, $0x2;
	(pc) =	sbr.rel @!p2 .LBB1_6-.Ltmp1, $4  }
0x22: {  	s14 =	simm.s32 @!p1 $0x2  }
0x23: {  	s16 =	sadd.s32 $0x1, s12;
	s13 =	smov.u32 s11;
	_ =	swait.ge @!p1 [sflag:s14], $0x4000  }
0x24: {  	p0 =	por !p0, !p0;
	s12 =	smov.u32 s16;
	[sflag:s14] =	ssyncset.done @!p1 $0x0  }
0x25: {  	s11 =	smov.u32 s15;
	[sflag:s14] =	ssyncadd.s32 @!p1 $0xFFFFC000;
	s14 =	smov.u32 s4  }
.LBB1_1:
0x26: {  	p1 =	sge.u32 s12, s6  }
0x27: {  	s15 =	sshll.u32 @!p1 s11, $0xA  }
0x28: {  	s15 =	sand.u32 @!p1 $0xFFFFE000, s15  }
0x29: {  	s15 =	sor.u32 @!p1 s8, s15  }
0x2a: {  	s15 =	sshrl.u32 @!p1 s15, $0xA  }
0x2b: {  	s16 =	smulhi.u32 @!p1 $0x4A7905, s15;
	_ =	sdelay $0x1  }
0x2c: {  	s16 =	sshrl.u32 @!p1 s16, $0x5  }
0x2d: {  	s16 =	smul.u32 @!p1 $0x6E00, s16  }
0x2e: {  	s31 =	sadd.s32 $0xFFFFFFFF, s12;
	s17 =	sxor.u32 @!p1 $0xFFFFFFFF, s12;
	s18 =	sshll.u32 @!p1 s11, $0x4  }
0x2f: {  	s17 =	sshll.u32 @!p1 s17, $0xE;
	s15 =	ssub.s32 @!p1 s15, s16;
	s16 =	sand.u32 @!p1 $0x70, s18  }
0x30: {  	s17 =	sand.u32 @!p1 $0x4000, s17;
	s15 =	sshll.u32 @!p1 s15, $0x7;
	s16 =	sadd.s32 @!p1 s7, s16  }
0x31: {  	s18 =	simm.s32 @!p1 $0x2000;
	s15 =	sadd.s32 @!p1 s15, s16;
	s16 =	simm.s32 @!p1 $0x400  }
0x32: {  	[tilespmem:s17], [sflag:$0x1] =	stream.strided.gather @!p1 [hbm4b:s15+s16], $0x4000, s18, s16, $0x38;
	[tilespmem:$0x10100] =	vst v63  }
0x33: {  	p1 =	sge.u32 s31, s6  }
.Ltmp2:
0x34: {  	_ = 	snop;
	(pc) =	sbr.rel @p1 .LBB1_5-.Ltmp2, $1  }
0x35: {  	_ =	sdelay $0x3  }
0x36: {  	s15 =	simm.s32 $0x1  }
0x37: {  	_ =	swait.ge [sflag:s5], $0x4000;
	s15 =	simm.s32 @!p0 $0x0  }
0x38: {  	[sflag:s5] =	ssyncset.done $0x0;
	s16 =	sshll.u32 s15, $0xE  }
0x39: {  	[sflag:s5] =	ssyncadd.s32 $0xFFFFC000;
	s18 =	sor.u32 $0x40, s16  }
0x3a: {  	s15 =	smul.u32 $0x10200, s15;
	v0 =	vld [tilespmem:s18+$0x30]  }
0x3b: {  	v1 =	vld [tilespmem:s18+$0xFFFFFFD0]  }
0x3c: {  	s15 =	sshrl.u32 s15, $0x2;
	v5 =	vld [tilespmem:s18+$0xFFFFFFE0]  }
0x3d: {  	v6 =	vld [tilespmem:s18+$0xFFFFFFF0];
	s16 =	sor.u32 $0x8000, s15  }
0x3e: {  	s31 =	sand.u32 $0x1, s12;
	v4 =	vld [tilespmem:s18+$0x0];
	s17 =	sadd.s32 $0x0, s16  }
0x3f: {  	v3 =	vld [tilespmem:s18+$0x10];
	s15 =	smul.u32 $0x10200, s31;
	[tilespmem:s17+$0x3870 ss:$0x81] =	vst.msk $0xffff, v0  }
0x40: {  	v2 =	vld [tilespmem:s18+$0x20];
	[tilespmem:s17+$0x810 ss:$0x81] =	vst.msk $0xffff, v1  }
0x41: {  	s15 =	sshrl.u32 s15, $0x2;
	v0 =	vld [tilespmem:s18+$0xFFFFFFC0];
	[tilespmem:s17+$0x1020 ss:$0x81] =	vst.msk $0xffff, v5;
	s18 =	sadd.s32 $0x80, s18  }
0x42: {  	s19 =	simm.s32 $0x4;
	s20 =	simm.s32 $0x8;
	s15 =	sor.u32 $0x8000, s15;
	[tilespmem:s17+$0x1830 ss:$0x81] =	vst.msk $0xffff, v6;
	v1 =	vld [tilespmem:s18+$0x30]  }
.LBB1_3:
0x43: {  	p1 =	sne.s32 s20, $0x1FC;
	v5 =	vld [tilespmem:s18+$0xFFFFFFD0];
	[tilespmem:s17+$0x2040 ss:$0x81] =	vst.msk $0xffff, v4  }
0x44: {  	v6 =	vld [tilespmem:s18+$0xFFFFFFE0];
	[tilespmem:s17+$0x2850 ss:$0x81] =	vst.msk $0xffff, v3  }
0x45: {  	s21 =	sshra.s32 s19, $0x2;
	s19 =	smov.u32 s20;
	v7 =	vld [tilespmem:s18+$0xFFFFFFF0];
	[tilespmem:s17+$0x3060 ss:$0x81] =	vst.msk $0xffff, v2  }
.Ltmp3:
0x46: {  	v4 =	vld [tilespmem:s18+$0x0];
	[tilespmem:s17+$0x0 ss:$0x81] =	vst.msk $0xffff, v0;
	s17 =	sadd.s32 s21, s16;
	(pc) =	sbr.rel @p1 .LBB1_3-.Ltmp3, $4  }
0x47: {  	v3 =	vld [tilespmem:s18+$0x10];
	[tilespmem:s17+$0x3870 ss:$0x81] =	vst.msk $0xffff, v1  }
0x48: {  	[tilespmem:s17+$0x810 ss:$0x81] =	vst.msk $0xffff, v5;
	v2 =	vld [tilespmem:s18+$0x20]  }
0x49: {  	v0 =	vld [tilespmem:s18+$0xFFFFFFC0];
	[tilespmem:s17+$0x1020 ss:$0x81] =	vst.msk $0xffff, v6;
	s18 =	sadd.s32 $0x80, s18  }
0x4a: {  	s20 =	sadd.s32 $0x4, s20;
	v1 =	vld [tilespmem:s18+$0x30];
	[tilespmem:s17+$0x1830 ss:$0x81] =	vst.msk $0xffff, v7  }
.Ltmp4:
0x4b: {  	_ = 	snop;
	(pc) =	sbr.rel .LBB1_4-.Ltmp4, $1  }
0x4c: {  	_ =	sdelay $0x3  }
.LBB1_6:
0x4d: {  	_ =	sfence.sel $0x180000  }
0x4e: {  	s2 =	simm.s32 $0x1;
	[bflag:$0x0] =	sbarrier.arrive $0xFFFF  }
0x4f: {  	s31 =	simm.s32 $0x2;
	[sflag:s2] =	ssyncpa.u1 $0x1  }
0x50: {  	[sflag:s31] =	ssyncpa.u1 $0x1  }
0x51: {  	p0 =	sne.s32 s0, $0x0;
	_ =	strace $0x90000047  }
0x52: {  	s0 =	sadd.s32 @!p0 $0x100000, s1;
	[bflag:$0x2] =	sbarrier.arrive $0xFFFF  }
0x53: {  	[sflag:s0] =	ssyncadd.tile.s32 @!p0 $0x1;
	_ =	shalt  }
.Lfunc_end1:
_tile_overlayer_lowered:
.L_overlay_start_2:
0x54: {  	(tag) =	ssettag $0x2  }
0x55: {  	s0 =	rddreg [dreg:$0x0];
	s2 =	stileid.u32  }
0x56: {  	s1 =	rddreg [dreg:$0x1];
	p0 =	sne.s32 s2, $0x0  }
0x57: {  	s3 =	rddreg [dreg:$0x2];
	[bflag:$0x3] =	sbarrier.arrive $0xFFFF;
	s2 =	simm.s32 @!p0 $0x1C01  }
0x58: {  	[timem:s3], [sflag:s2] =	dma.local @!p0 [hbm:s0], s1  }
0x59: {  	s0 =	simm.s32 @!p0 $0x1  }
0x5a: {  	_ =	swait.ge @!p0 [sflag:s0], s1  }
0x5b: {  	s1 =	ssub.s32 @!p0 $0x0, s1;
	[sflag:s0] =	ssyncset.done @!p0 $0x0  }
0x5c: {  	[sflag:s0] =	ssyncadd.s32 @!p0 s1  }
0x5d: {  	[bflag:$0x3] =	sbarrier.arrive $0xFFFF  }
0x5e: {  	_ =	shalt  }

</sc_bundles>
